<compile_context>
chip_gen: v7x
topology: tpu7x:2x2x1
jax: 0.10.2.dev20260603
libtpu: 0.0.44.dev20260713+nightly
codegen_flags: <defaults>
</compile_context>

<pallas_src>
import jax
import jax.numpy as jnp
from jax import lax
from jax.experimental import pallas as pl
from jax.experimental.pallas import tpu as pltpu
from jax.experimental.pallas import tpu_sc as plsc

MAXLEN = 200
EMBED = 64
ROWW = 2 * EMBED

_info = plsc.get_sparse_core_info()
NC, NS = _info.num_cores, _info.num_subcores
NW = NC * NS

SEQ_PER_CHUNK = 2
CR = SEQ_PER_CHUNK * MAXLEN
NBUF = 4


def _body(x_hbm, tbl_hbm, posr_hbm, out_hbm, idx_v, rows_v, gsem, osem, psem):
    wid = lax.axis_index("s") * NC + lax.axis_index("c")
    n_flat = x_hbm.shape[0]
    per_w = n_flat // NW
    n_chunks = per_w // CR
    base = wid * per_w

    def prep(g, s):
        row0 = base + g * CR
        pltpu.async_copy(x_hbm.at[pl.ds(row0, CR)], idx_v[s], psem[s])
        pltpu.async_copy(posr_hbm.at[wid], rows_v[s], psem[s])

    def wait_prep(s):
        pltpu.make_async_copy(x_hbm.at[pl.ds(base, CR)], idx_v[s], psem[s]).wait()
        pltpu.make_async_copy(posr_hbm.at[wid], rows_v[s], psem[s]).wait()

    def fire_gather(s):
        pltpu.async_copy(tbl_hbm.at[idx_v[s]], rows_v[s], gsem[s], add=True)

    def out_slice(g):
        return out_hbm.at[pl.ds(base + g * CR, CR), pl.ds(0, EMBED)]

    def wait_out(s):
        pltpu.make_async_copy(rows_v[s], out_slice(0), osem[s]).wait()

    for g0 in range(3):
        prep(g0, g0)
    wait_prep(0)
    fire_gather(0)
    wait_prep(1)
    fire_gather(1)

    def quad_body(t, carry):
        for b in range(NBUF):
            g = NBUF * t + b
            s2, s3 = (b + 2) % NBUF, (b + 3) % NBUF
            pltpu.make_async_copy(tbl_hbm.at[idx_v[b]], rows_v[b], gsem[b]).wait()
            pltpu.async_copy(rows_v[b], out_slice(g), osem[b])

            @pl.when(g + 3 < n_chunks)
            def _():
                @pl.when(g >= 1)
                def _():
                    wait_out(s3)
                prep(g + 3, s3)

            @pl.when(g + 2 < n_chunks)
            def _():
                wait_prep(s2)
                fire_gather(s2)
        return carry

    lax.fori_loop(0, n_chunks // NBUF, quad_body, 0, unroll=False)
    for b in range(NBUF):
        wait_out(b)


@jax.jit
def kernel(x, token_table, pos_table):
    batch, seq_len = x.shape
    n_flat = batch * seq_len
    vocab = token_table.shape[0]
    x_flat = x.reshape(n_flat).astype(jnp.int32)
    tbl = lax.optimization_barrier(token_table.reshape(vocab // 2, ROWW))
    tbl = tbl.reshape(vocab, EMBED)

    mesh = plsc.VectorSubcoreMesh(core_axis_name="c", subcore_axis_name="s")
    run = pl.kernel(
        _body,
        out_type=jax.ShapeDtypeStruct((n_flat, ROWW), jnp.float32),
        mesh=mesh,
        scratch_types=[
            [pltpu.VMEM((CR,), jnp.int32) for _ in range(NBUF)],
            [pltpu.VMEM((CR, EMBED), jnp.float32) for _ in range(NBUF)],
            [pltpu.SemaphoreType.DMA for _ in range(NBUF)],
            [pltpu.SemaphoreType.DMA for _ in range(NBUF)],
            [pltpu.SemaphoreType.DMA for _ in range(NBUF)],
        ],
        compiler_params=pltpu.CompilerParams(use_tc_tiling_on_sc=False),
    )
    pos_rep = jnp.broadcast_to(
        jnp.tile(pos_table, (SEQ_PER_CHUNK, 1))[None], (NW, CR, EMBED)
    )
    out = run(x_flat, tbl, pos_rep)
    return out[:, :EMBED].reshape(batch, seq_len, EMBED)

# --- scband reference (transcript-rebuilt; emitter-appended) ---
"""Pipeline reference for scband-token-and-position-embedding-32710470926865 (READ-ONLY COPY).

The authoritative reference and input builder live on the scoring server;
editing this copy changes nothing except your own understanding.
"""

import jax, jax.numpy as jnp
import numpy as np

MAXLEN = 200
VOCAB = 1000000
EMBED = 64
BATCH = 4096

def setup_inputs(seed: int = 0) -> dict:
    key = jax.random.key(seed)
    k1, k2, k3 = jax.random.split(key, 3)
    x = jax.random.randint(k1, (BATCH, MAXLEN), 0, VOCAB, dtype=jnp.int64 if jax.config.jax_enable_x64 else jnp.int32)
    token_table = jax.random.normal(k2, (VOCAB, EMBED), dtype=jnp.float32) * 0.02
    pos_table = jax.random.normal(k3, (MAXLEN, EMBED), dtype=jnp.float32) * 0.02
    return {"x": x, "token_table": token_table, "pos_table": pos_table}

def reference(x, token_table, pos_table):
    # positions = range(0, seq_len)
    seq_len = x.shape[-1]
    positions = jnp.arange(seq_len)
    pos_embedded = jnp.take(pos_table, positions, axis=0)        # [L, D]
    tok_embedded = jnp.take(token_table, x, axis=0)              # [B, L, D]
    return tok_embedded + pos_embedded[None, :, :]

if __name__ == "__main__":
    import jax
    _d = setup_inputs()
    print(jax.jit(kernel)(*tuple(_d.values())))

</pallas_src>

<mosaic_0001>
#map = affine_map<(d0, d1) -> (0)>
#map1 = affine_map<(d0, d1) -> (0, 0)>
#map2 = affine_map<(d0, d1) -> (0, 0, 0)>
module attributes {stable_mosaic.version = 14 : i64} {
  func.func @_body(%arg0: i32, %arg1: i32, %arg2: memref<819200xi32, #tpu.memory_space<hbm>>, %arg3: memref<1000000x64xf32, #tpu.memory_space<hbm>>, %arg4: memref<32x400x64xf32, #tpu.memory_space<hbm>>, %arg5: memref<819200x128xf32, #tpu.memory_space<hbm>>, %arg6: memref<400xi32, #tpu.memory_space<vmem>>, %arg7: memref<400xi32, #tpu.memory_space<vmem>>, %arg8: memref<400xi32, #tpu.memory_space<vmem>>, %arg9: memref<400xi32, #tpu.memory_space<vmem>>, %arg10: memref<400x64xf32, #tpu.memory_space<vmem>>, %arg11: memref<400x64xf32, #tpu.memory_space<vmem>>, %arg12: memref<400x64xf32, #tpu.memory_space<vmem>>, %arg13: memref<400x64xf32, #tpu.memory_space<vmem>>, %arg14: memref<!tpu.dma_semaphore, #tpu.memory_space<semaphore_mem>>, %arg15: memref<!tpu.dma_semaphore, #tpu.memory_space<semaphore_mem>>, %arg16: memref<!tpu.dma_semaphore, #tpu.memory_space<semaphore_mem>>, %arg17: memref<!tpu.dma_semaphore, #tpu.memory_space<semaphore_mem>>, %arg18: memref<!tpu.dma_semaphore, #tpu.memory_space<semaphore_mem>>, %arg19: memref<!tpu.dma_semaphore, #tpu.memory_space<semaphore_mem>>, %arg20: memref<!tpu.dma_semaphore, #tpu.memory_space<semaphore_mem>>, %arg21: memref<!tpu.dma_semaphore, #tpu.memory_space<semaphore_mem>>, %arg22: memref<!tpu.dma_semaphore, #tpu.memory_space<semaphore_mem>>, %arg23: memref<!tpu.dma_semaphore, #tpu.memory_space<semaphore_mem>>, %arg24: memref<!tpu.dma_semaphore, #tpu.memory_space<semaphore_mem>>, %arg25: memref<!tpu.dma_semaphore, #tpu.memory_space<semaphore_mem>>) attributes {dimension_semantics = [#tpu.dimension_semantics<core_parallel>, #tpu.dimension_semantics<subcore_parallel>], iteration_bounds = array<i64: 2, 16>, scalar_prefetch = 0 : i64, scratch_operands = 20 : i64, tpu.core_type = #tpu.core_type<sc_vector_subcore>, window_params = [{transform_indices = #map}, {transform_indices = #map1}, {transform_indices = #map2}, {transform_indices = #map1}]} {
    %mul3A = arith.constant 2 : i32
    %mul3A_0 = arith.muli %arg1, %mul3A : i32
    %add3A = arith.addi %mul3A_0, %arg0 : i32
    %mul3A_1 = arith.constant 25600 : i32
    %mul3A_2 = arith.muli %add3A, %mul3A_1 : i32
    %add3A_3 = arith.constant 0 : i32
    %add3A_4 = arith.addi %mul3A_2, %add3A_3 : i32
    %dma_start3A = tpu.memref_slice %arg2[%add3A_4] : memref<819200xi32, #tpu.memory_space<hbm>> -> memref<400xi32, #tpu.memory_space<hbm>>
    %dma_start3A_5 = tpu.memref_slice %arg2[%add3A_4] : memref<819200xi32, #tpu.memory_space<hbm>> -> memref<400xi32, #tpu.memory_space<hbm>>
    tpu.enqueue_dma source(%dma_start3A_5 : memref<400xi32, #tpu.memory_space<hbm>>) target(%arg6 : memref<400xi32, #tpu.memory_space<vmem>>) target_semaphore(%arg22 : memref<!tpu.dma_semaphore, #tpu.memory_space<semaphore_mem>>)
    %dma_start3A_6 = arith.constant 0 : i32
    %dma_start3A_7 = arith.constant 0 : i32
    %dma_start3A_8 = tpu.memref_slice %arg4[%add3A, %dma_start3A_6, %dma_start3A_7] : memref<32x400x64xf32, #tpu.memory_space<hbm>> -> memref<1x400x64xf32, #tpu.memory_space<hbm>>
    %dma_start3A_9 = tpu.memref_squeeze %dma_start3A_8 : memref<1x400x64xf32, #tpu.memory_space<hbm>> -> memref<400x64xf32, #tpu.memory_space<hbm>>
    %dma_start3A_10 = arith.constant 0 : i32
    %dma_start3A_11 = arith.constant 0 : i32
    %dma_start3A_12 = tpu.memref_slice %arg4[%add3A, %dma_start3A_10, %dma_start3A_11] : memref<32x400x64xf32, #tpu.memory_space<hbm>> -> memref<1x400x64xf32, #tpu.memory_space<hbm>>
    %dma_start3A_13 = tpu.memref_squeeze %dma_start3A_12 : memref<1x400x64xf32, #tpu.memory_space<hbm>> -> memref<400x64xf32, #tpu.memory_space<hbm>>
    tpu.enqueue_dma source(%dma_start3A_13 : memref<400x64xf32, #tpu.memory_space<hbm>>) target(%arg10 : memref<400x64xf32, #tpu.memory_space<vmem>>) target_semaphore(%arg22 : memref<!tpu.dma_semaphore, #tpu.memory_space<semaphore_mem>>)
    %add3A_14 = arith.constant 400 : i32
    %add3A_15 = arith.addi %mul3A_2, %add3A_14 : i32
    %dma_start3A_16 = tpu.memref_slice %arg2[%add3A_15] : memref<819200xi32, #tpu.memory_space<hbm>> -> memref<400xi32, #tpu.memory_space<hbm>>
    %dma_start3A_17 = tpu.memref_slice %arg2[%add3A_15] : memref<819200xi32, #tpu.memory_space<hbm>> -> memref<400xi32, #tpu.memory_space<hbm>>
    tpu.enqueue_dma source(%dma_start3A_17 : memref<400xi32, #tpu.memory_space<hbm>>) target(%arg7 : memref<400xi32, #tpu.memory_space<vmem>>) target_semaphore(%arg23 : memref<!tpu.dma_semaphore, #tpu.memory_space<semaphore_mem>>)
    %dma_start3A_18 = arith.constant 0 : i32
    %dma_start3A_19 = arith.constant 0 : i32
    %dma_start3A_20 = tpu.memref_slice %arg4[%add3A, %dma_start3A_18, %dma_start3A_19] : memref<32x400x64xf32, #tpu.memory_space<hbm>> -> memref<1x400x64xf32, #tpu.memory_space<hbm>>
    %dma_start3A_21 = tpu.memref_squeeze %dma_start3A_20 : memref<1x400x64xf32, #tpu.memory_space<hbm>> -> memref<400x64xf32, #tpu.memory_space<hbm>>
    %dma_start3A_22 = arith.constant 0 : i32
    %dma_start3A_23 = arith.constant 0 : i32
    %dma_start3A_24 = tpu.memref_slice %arg4[%add3A, %dma_start3A_22, %dma_start3A_23] : memref<32x400x64xf32, #tpu.memory_space<hbm>> -> memref<1x400x64xf32, #tpu.memory_space<hbm>>
    %dma_start3A_25 = tpu.memref_squeeze %dma_start3A_24 : memref<1x400x64xf32, #tpu.memory_space<hbm>> -> memref<400x64xf32, #tpu.memory_space<hbm>>
    tpu.enqueue_dma source(%dma_start3A_25 : memref<400x64xf32, #tpu.memory_space<hbm>>) target(%arg11 : memref<400x64xf32, #tpu.memory_space<vmem>>) target_semaphore(%arg23 : memref<!tpu.dma_semaphore, #tpu.memory_space<semaphore_mem>>)
    %add3A_26 = arith.constant 800 : i32
    %add3A_27 = arith.addi %mul3A_2, %add3A_26 : i32
    %dma_start3A_28 = tpu.memref_slice %arg2[%add3A_27] : memref<819200xi32, #tpu.memory_space<hbm>> -> memref<400xi32, #tpu.memory_space<hbm>>
    %dma_start3A_29 = tpu.memref_slice %arg2[%add3A_27] : memref<819200xi32, #tpu.memory_space<hbm>> -> memref<400xi32, #tpu.memory_space<hbm>>
    tpu.enqueue_dma source(%dma_start3A_29 : memref<400xi32, #tpu.memory_space<hbm>>) target(%arg8 : memref<400xi32, #tpu.memory_space<vmem>>) target_semaphore(%arg24 : memref<!tpu.dma_semaphore, #tpu.memory_space<semaphore_mem>>)
    %dma_start3A_30 = arith.constant 0 : i32
    %dma_start3A_31 = arith.constant 0 : i32
    %dma_start3A_32 = tpu.memref_slice %arg4[%add3A, %dma_start3A_30, %dma_start3A_31] : memref<32x400x64xf32, #tpu.memory_space<hbm>> -> memref<1x400x64xf32, #tpu.memory_space<hbm>>
    %dma_start3A_33 = tpu.memref_squeeze %dma_start3A_32 : memref<1x400x64xf32, #tpu.memory_space<hbm>> -> memref<400x64xf32, #tpu.memory_space<hbm>>
    %dma_start3A_34 = arith.constant 0 : i32
    %dma_start3A_35 = arith.constant 0 : i32
    %dma_start3A_36 = tpu.memref_slice %arg4[%add3A, %dma_start3A_34, %dma_start3A_35] : memref<32x400x64xf32, #tpu.memory_space<hbm>> -> memref<1x400x64xf32, #tpu.memory_space<hbm>>
    %dma_start3A_37 = tpu.memref_squeeze %dma_start3A_36 : memref<1x400x64xf32, #tpu.memory_space<hbm>> -> memref<400x64xf32, #tpu.memory_space<hbm>>
    tpu.enqueue_dma source(%dma_start3A_37 : memref<400x64xf32, #tpu.memory_space<hbm>>) target(%arg12 : memref<400x64xf32, #tpu.memory_space<vmem>>) target_semaphore(%arg24 : memref<!tpu.dma_semaphore, #tpu.memory_space<semaphore_mem>>)
    %dma_wait3A = tpu.memref_slice %arg2[%mul3A_2] : memref<819200xi32, #tpu.memory_space<hbm>> -> memref<400xi32, #tpu.memory_space<hbm>>
    %dma_wait3A_38 = tpu.memref_slice %arg2[%mul3A_2] : memref<819200xi32, #tpu.memory_space<hbm>> -> memref<400xi32, #tpu.memory_space<hbm>>
    tpu.wait_dma2 semaphore(%arg22 : memref<!tpu.dma_semaphore, #tpu.memory_space<semaphore_mem>>) src(%dma_wait3A_38 : memref<400xi32, #tpu.memory_space<hbm>>) dst(%arg6 : memref<400xi32, #tpu.memory_space<vmem>>)
    %dma_wait3A_39 = arith.constant 0 : i32
    %dma_wait3A_40 = arith.constant 0 : i32
    %dma_wait3A_41 = tpu.memref_slice %arg4[%add3A, %dma_wait3A_39, %dma_wait3A_40] : memref<32x400x64xf32, #tpu.memory_space<hbm>> -> memref<1x400x64xf32, #tpu.memory_space<hbm>>
    %dma_wait3A_42 = tpu.memref_squeeze %dma_wait3A_41 : memref<1x400x64xf32, #tpu.memory_space<hbm>> -> memref<400x64xf32, #tpu.memory_space<hbm>>
    %dma_wait3A_43 = arith.constant 0 : i32
    %dma_wait3A_44 = arith.constant 0 : i32
    %dma_wait3A_45 = tpu.memref_slice %arg4[%add3A, %dma_wait3A_43, %dma_wait3A_44] : memref<32x400x64xf32, #tpu.memory_space<hbm>> -> memref<1x400x64xf32, #tpu.memory_space<hbm>>
    %dma_wait3A_46 = tpu.memref_squeeze %dma_wait3A_45 : memref<1x400x64xf32, #tpu.memory_space<hbm>> -> memref<400x64xf32, #tpu.memory_space<hbm>>
    tpu.wait_dma2 semaphore(%arg22 : memref<!tpu.dma_semaphore, #tpu.memory_space<semaphore_mem>>) src(%dma_wait3A_46 : memref<400x64xf32, #tpu.memory_space<hbm>>) dst(%arg10 : memref<400x64xf32, #tpu.memory_space<vmem>>)
    %dma_start3A_47 = arith.constant 0 : i32
    %dma_start3A_48 = arith.constant 0 : i32
    %dma_start3A_49 = tpu.memref_slice %arg3[%dma_start3A_47, %dma_start3A_48] : memref<1000000x64xf32, #tpu.memory_space<hbm>> -> memref<1000000x64xf32, #tpu.memory_space<hbm>>
    tpu.enqueue_indirect_dma source(%dma_start3A_49 : memref<1000000x64xf32, #tpu.memory_space<hbm>>) target(%arg10 : memref<400x64xf32, #tpu.memory_space<vmem>>) offsets(%arg6 : memref<400xi32, #tpu.memory_space<vmem>>) semaphore(%arg14 : memref<!tpu.dma_semaphore, #tpu.memory_space<semaphore_mem>>) {add = true}
    %dma_wait3A_50 = tpu.memref_slice %arg2[%mul3A_2] : memref<819200xi32, #tpu.memory_space<hbm>> -> memref<400xi32, #tpu.memory_space<hbm>>
    %dma_wait3A_51 = tpu.memref_slice %arg2[%mul3A_2] : memref<819200xi32, #tpu.memory_space<hbm>> -> memref<400xi32, #tpu.memory_space<hbm>>
    tpu.wait_dma2 semaphore(%arg23 : memref<!tpu.dma_semaphore, #tpu.memory_space<semaphore_mem>>) src(%dma_wait3A_51 : memref<400xi32, #tpu.memory_space<hbm>>) dst(%arg7 : memref<400xi32, #tpu.memory_space<vmem>>)
    %dma_wait3A_52 = arith.constant 0 : i32
    %dma_wait3A_53 = arith.constant 0 : i32
    %dma_wait3A_54 = tpu.memref_slice %arg4[%add3A, %dma_wait3A_52, %dma_wait3A_53] : memref<32x400x64xf32, #tpu.memory_space<hbm>> -> memref<1x400x64xf32, #tpu.memory_space<hbm>>
    %dma_wait3A_55 = tpu.memref_squeeze %dma_wait3A_54 : memref<1x400x64xf32, #tpu.memory_space<hbm>> -> memref<400x64xf32, #tpu.memory_space<hbm>>
    %dma_wait3A_56 = arith.constant 0 : i32
    %dma_wait3A_57 = arith.constant 0 : i32
    %dma_wait3A_58 = tpu.memref_slice %arg4[%add3A, %dma_wait3A_56, %dma_wait3A_57] : memref<32x400x64xf32, #tpu.memory_space<hbm>> -> memref<1x400x64xf32, #tpu.memory_space<hbm>>
    %dma_wait3A_59 = tpu.memref_squeeze %dma_wait3A_58 : memref<1x400x64xf32, #tpu.memory_space<hbm>> -> memref<400x64xf32, #tpu.memory_space<hbm>>
    tpu.wait_dma2 semaphore(%arg23 : memref<!tpu.dma_semaphore, #tpu.memory_space<semaphore_mem>>) src(%dma_wait3A_59 : memref<400x64xf32, #tpu.memory_space<hbm>>) dst(%arg11 : memref<400x64xf32, #tpu.memory_space<vmem>>)
    %dma_start3A_60 = arith.constant 0 : i32
    %dma_start3A_61 = arith.constant 0 : i32
    %dma_start3A_62 = tpu.memref_slice %arg3[%dma_start3A_60, %dma_start3A_61] : memref<1000000x64xf32, #tpu.memory_space<hbm>> -> memref<1000000x64xf32, #tpu.memory_space<hbm>>
    tpu.enqueue_indirect_dma source(%dma_start3A_62 : memref<1000000x64xf32, #tpu.memory_space<hbm>>) target(%arg11 : memref<400x64xf32, #tpu.memory_space<vmem>>) offsets(%arg7 : memref<400xi32, #tpu.memory_space<vmem>>) semaphore(%arg15 : memref<!tpu.dma_semaphore, #tpu.memory_space<semaphore_mem>>) {add = true}
    %scan3A = arith.constant 0 : i32
    %scan3A_63 = arith.constant 0 : i32
    %scan3A_64 = arith.constant 16 : i32
    %scan3A_65 = arith.addi %scan3A_63, %scan3A_64 : i32
    %scan3A_66 = arith.constant 1 : i32
    scf.for %scan3A_92 = %scan3A_63 to %scan3A_65 step %scan3A_66  : i32 {
      %mul3A_93 = arith.constant 4 : i32
      %mul3A_94 = arith.muli %mul3A_93, %scan3A_92 : i32
      %add3A_95 = arith.constant 0 : i32
      %add3A_96 = arith.addi %mul3A_94, %add3A_95 : i32
      %dma_wait3A_97 = arith.constant 0 : i32
      %dma_wait3A_98 = arith.constant 0 : i32
      %dma_wait3A_99 = tpu.memref_slice %arg3[%dma_wait3A_97, %dma_wait3A_98] : memref<1000000x64xf32, #tpu.memory_space<hbm>> -> memref<1000000x64xf32, #tpu.memory_space<hbm>>
      tpu.wait_indirect_dma semaphore(%arg14 : memref<!tpu.dma_semaphore, #tpu.memory_space<semaphore_mem>>) src(%dma_wait3A_99 : memref<1000000x64xf32, #tpu.memory_space<hbm>>) dst(%arg10 : memref<400x64xf32, #tpu.memory_space<vmem>>)
      %mul3A_100 = arith.constant 400 : i32
      %mul3A_101 = arith.muli %add3A_96, %mul3A_100 : i32
      %add3A_102 = arith.addi %mul3A_2, %mul3A_101 : i32
      %dma_start3A_103 = arith.constant 0 : i32
      %dma_start3A_104 = tpu.memref_slice %arg5[%add3A_102, %dma_start3A_103] : memref<819200x128xf32, #tpu.memory_space<hbm>> -> memref<400x64xf32, #tpu.memory_space<hbm>>
      %dma_start3A_105 = arith.constant 0 : i32
      %dma_start3A_106 = tpu.memref_slice %arg5[%add3A_102, %dma_start3A_105] : memref<819200x128xf32, #tpu.memory_space<hbm>> -> memref<400x64xf32, #tpu.memory_space<hbm>>
      tpu.enqueue_dma source(%arg10 : memref<400x64xf32, #tpu.memory_space<vmem>>) target(%dma_start3A_106 : memref<400x64xf32, #tpu.memory_space<hbm>>) target_semaphore(%arg18 : memref<!tpu.dma_semaphore, #tpu.memory_space<semaphore_mem>>)
      %add3A_107 = arith.constant 3 : i32
      %add3A_108 = arith.addi %add3A_96, %add3A_107 : i32
      %lt3A = arith.constant 64 : i32
      %lt3A_109 = arith.cmpi slt, %add3A_108, %lt3A : i32
      %convert_element_type3A = arith.extui %lt3A_109 : i1 to i32
      %cond3A = arith.constant 0 : i32
      %cond3A_110 = arith.cmpi ne, %convert_element_type3A, %cond3A : i32
      scf.if %cond3A_110 {
        %ge3A = arith.constant 1 : i32
        %ge3A_202 = arith.cmpi sge, %add3A_96, %ge3A : i32
        %convert_element_type3A_203 = arith.extui %ge3A_202 : i1 to i32
        %cond3A_204 = arith.constant 0 : i32
        %cond3A_205 = arith.cmpi ne, %convert_element_type3A_203, %cond3A_204 : i32
        scf.if %cond3A_205 {
          %add3A_221 = arith.constant 0 : i32
          %add3A_222 = arith.addi %mul3A_2, %add3A_221 : i32
          %dma_wait3A_223 = arith.constant 0 : i32
          %dma_wait3A_224 = tpu.memref_slice %arg5[%add3A_222, %dma_wait3A_223] : memref<819200x128xf32, #tpu.memory_space<hbm>> -> memref<400x64xf32, #tpu.memory_space<hbm>>
          %dma_wait3A_225 = arith.constant 0 : i32
          %dma_wait3A_226 = tpu.memref_slice %arg5[%add3A_222, %dma_wait3A_225] : memref<819200x128xf32, #tpu.memory_space<hbm>> -> memref<400x64xf32, #tpu.memory_space<hbm>>
          tpu.wait_dma2 semaphore(%arg21 : memref<!tpu.dma_semaphore, #tpu.memory_space<semaphore_mem>>) src(%arg13 : memref<400x64xf32, #tpu.memory_space<vmem>>) dst(%dma_wait3A_226 : memref<400x64xf32, #tpu.memory_space<hbm>>)
        } else {
        }
        %add3A_206 = arith.constant 3 : i32
        %add3A_207 = arith.addi %add3A_96, %add3A_206 : i32
        %mul3A_208 = arith.constant 400 : i32
        %mul3A_209 = arith.muli %add3A_207, %mul3A_208 : i32
        %add3A_210 = arith.addi %mul3A_2, %mul3A_209 : i32
        %dma_start3A_211 = tpu.memref_slice %arg2[%add3A_210] : memref<819200xi32, #tpu.memory_space<hbm>> -> memref<400xi32, #tpu.memory_space<hbm>>
        %dma_start3A_212 = tpu.memref_slice %arg2[%add3A_210] : memref<819200xi32, #tpu.memory_space<hbm>> -> memref<400xi32, #tpu.memory_space<hbm>>
        tpu.enqueue_dma source(%dma_start3A_212 : memref<400xi32, #tpu.memory_space<hbm>>) target(%arg9 : memref<400xi32, #tpu.memory_space<vmem>>) target_semaphore(%arg25 : memref<!tpu.dma_semaphore, #tpu.memory_space<semaphore_mem>>)
        %dma_start3A_213 = arith.constant 0 : i32
        %dma_start3A_214 = arith.constant 0 : i32
        %dma_start3A_215 = tpu.memref_slice %arg4[%add3A, %dma_start3A_213, %dma_start3A_214] : memref<32x400x64xf32, #tpu.memory_space<hbm>> -> memref<1x400x64xf32, #tpu.memory_space<hbm>>
        %dma_start3A_216 = tpu.memref_squeeze %dma_start3A_215 : memref<1x400x64xf32, #tpu.memory_space<hbm>> -> memref<400x64xf32, #tpu.memory_space<hbm>>
        %dma_start3A_217 = arith.constant 0 : i32
        %dma_start3A_218 = arith.constant 0 : i32
        %dma_start3A_219 = tpu.memref_slice %arg4[%add3A, %dma_start3A_217, %dma_start3A_218] : memref<32x400x64xf32, #tpu.memory_space<hbm>> -> memref<1x400x64xf32, #tpu.memory_space<hbm>>
        %dma_start3A_220 = tpu.memref_squeeze %dma_start3A_219 : memref<1x400x64xf32, #tpu.memory_space<hbm>> -> memref<400x64xf32, #tpu.memory_space<hbm>>
        tpu.enqueue_dma source(%dma_start3A_220 : memref<400x64xf32, #tpu.memory_space<hbm>>) target(%arg13 : memref<400x64xf32, #tpu.memory_space<vmem>>) target_semaphore(%arg25 : memref<!tpu.dma_semaphore, #tpu.memory_space<semaphore_mem>>)
      } else {
      }
      %add3A_111 = arith.constant 2 : i32
      %add3A_112 = arith.addi %add3A_96, %add3A_111 : i32
      %lt3A_113 = arith.constant 64 : i32
      %lt3A_114 = arith.cmpi slt, %add3A_112, %lt3A_113 : i32
      %convert_element_type3A_115 = arith.extui %lt3A_114 : i1 to i32
      %cond3A_116 = arith.constant 0 : i32
      %cond3A_117 = arith.cmpi ne, %convert_element_type3A_115, %cond3A_116 : i32
      scf.if %cond3A_117 {
        %dma_wait3A_202 = tpu.memref_slice %arg2[%mul3A_2] : memref<819200xi32, #tpu.memory_space<hbm>> -> memref<400xi32, #tpu.memory_space<hbm>>
        %dma_wait3A_203 = tpu.memref_slice %arg2[%mul3A_2] : memref<819200xi32, #tpu.memory_space<hbm>> -> memref<400xi32, #tpu.memory_space<hbm>>
        tpu.wait_dma2 semaphore(%arg24 : memref<!tpu.dma_semaphore, #tpu.memory_space<semaphore_mem>>) src(%dma_wait3A_203 : memref<400xi32, #tpu.memory_space<hbm>>) dst(%arg8 : memref<400xi32, #tpu.memory_space<vmem>>)
        %dma_wait3A_204 = arith.constant 0 : i32
        %dma_wait3A_205 = arith.constant 0 : i32
        %dma_wait3A_206 = tpu.memref_slice %arg4[%add3A, %dma_wait3A_204, %dma_wait3A_205] : memref<32x400x64xf32, #tpu.memory_space<hbm>> -> memref<1x400x64xf32, #tpu.memory_space<hbm>>
        %dma_wait3A_207 = tpu.memref_squeeze %dma_wait3A_206 : memref<1x400x64xf32, #tpu.memory_space<hbm>> -> memref<400x64xf32, #tpu.memory_space<hbm>>
        %dma_wait3A_208 = arith.constant 0 : i32
        %dma_wait3A_209 = arith.constant 0 : i32
        %dma_wait3A_210 = tpu.memref_slice %arg4[%add3A, %dma_wait3A_208, %dma_wait3A_209] : memref<32x400x64xf32, #tpu.memory_space<hbm>> -> memref<1x400x64xf32, #tpu.memory_space<hbm>>
        %dma_wait3A_211 = tpu.memref_squeeze %dma_wait3A_210 : memref<1x400x64xf32, #tpu.memory_space<hbm>> -> memref<400x64xf32, #tpu.memory_space<hbm>>
        tpu.wait_dma2 semaphore(%arg24 : memref<!tpu.dma_semaphore, #tpu.memory_space<semaphore_mem>>) src(%dma_wait3A_211 : memref<400x64xf32, #tpu.memory_space<hbm>>) dst(%arg12 : memref<400x64xf32, #tpu.memory_space<vmem>>)
        %dma_start3A_212 = arith.constant 0 : i32
        %dma_start3A_213 = arith.constant 0 : i32
        %dma_start3A_214 = tpu.memref_slice %arg3[%dma_start3A_212, %dma_start3A_213] : memref<1000000x64xf32, #tpu.memory_space<hbm>> -> memref<1000000x64xf32, #tpu.memory_space<hbm>>
        tpu.enqueue_indirect_dma source(%dma_start3A_214 : memref<1000000x64xf32, #tpu.memory_space<hbm>>) target(%arg12 : memref<400x64xf32, #tpu.memory_space<vmem>>) offsets(%arg8 : memref<400xi32, #tpu.memory_space<vmem>>) semaphore(%arg16 : memref<!tpu.dma_semaphore, #tpu.memory_space<semaphore_mem>>) {add = true}
      } else {
      }
      %mul3A_118 = arith.constant 4 : i32
      %mul3A_119 = arith.muli %mul3A_118, %scan3A_92 : i32
      %add3A_120 = arith.constant 1 : i32
      %add3A_121 = arith.addi %mul3A_119, %add3A_120 : i32
      %dma_wait3A_122 = arith.constant 0 : i32
      %dma_wait3A_123 = arith.constant 0 : i32
      %dma_wait3A_124 = tpu.memref_slice %arg3[%dma_wait3A_122, %dma_wait3A_123] : memref<1000000x64xf32, #tpu.memory_space<hbm>> -> memref<1000000x64xf32, #tpu.memory_space<hbm>>
      tpu.wait_indirect_dma semaphore(%arg15 : memref<!tpu.dma_semaphore, #tpu.memory_space<semaphore_mem>>) src(%dma_wait3A_124 : memref<1000000x64xf32, #tpu.memory_space<hbm>>) dst(%arg11 : memref<400x64xf32, #tpu.memory_space<vmem>>)
      %mul3A_125 = arith.constant 400 : i32
      %mul3A_126 = arith.muli %add3A_121, %mul3A_125 : i32
      %add3A_127 = arith.addi %mul3A_2, %mul3A_126 : i32
      %dma_start3A_128 = arith.constant 0 : i32
      %dma_start3A_129 = tpu.memref_slice %arg5[%add3A_127, %dma_start3A_128] : memref<819200x128xf32, #tpu.memory_space<hbm>> -> memref<400x64xf32, #tpu.memory_space<hbm>>
      %dma_start3A_130 = arith.constant 0 : i32
      %dma_start3A_131 = tpu.memref_slice %arg5[%add3A_127, %dma_start3A_130] : memref<819200x128xf32, #tpu.memory_space<hbm>> -> memref<400x64xf32, #tpu.memory_space<hbm>>
      tpu.enqueue_dma source(%arg11 : memref<400x64xf32, #tpu.memory_space<vmem>>) target(%dma_start3A_131 : memref<400x64xf32, #tpu.memory_space<hbm>>) target_semaphore(%arg19 : memref<!tpu.dma_semaphore, #tpu.memory_space<semaphore_mem>>)
      %add3A_132 = arith.constant 3 : i32
      %add3A_133 = arith.addi %add3A_121, %add3A_132 : i32
      %lt3A_134 = arith.constant 64 : i32
      %lt3A_135 = arith.cmpi slt, %add3A_133, %lt3A_134 : i32
      %convert_element_type3A_136 = arith.extui %lt3A_135 : i1 to i32
      %cond3A_137 = arith.constant 0 : i32
      %cond3A_138 = arith.cmpi ne, %convert_element_type3A_136, %cond3A_137 : i32
      scf.if %cond3A_138 {
        %ge3A = arith.constant 1 : i32
        %ge3A_202 = arith.cmpi sge, %add3A_121, %ge3A : i32
        %convert_element_type3A_203 = arith.extui %ge3A_202 : i1 to i32
        %cond3A_204 = arith.constant 0 : i32
        %cond3A_205 = arith.cmpi ne, %convert_element_type3A_203, %cond3A_204 : i32
        scf.if %cond3A_205 {
          %add3A_221 = arith.constant 0 : i32
          %add3A_222 = arith.addi %mul3A_2, %add3A_221 : i32
          %dma_wait3A_223 = arith.constant 0 : i32
          %dma_wait3A_224 = tpu.memref_slice %arg5[%add3A_222, %dma_wait3A_223] : memref<819200x128xf32, #tpu.memory_space<hbm>> -> memref<400x64xf32, #tpu.memory_space<hbm>>
          %dma_wait3A_225 = arith.constant 0 : i32
          %dma_wait3A_226 = tpu.memref_slice %arg5[%add3A_222, %dma_wait3A_225] : memref<819200x128xf32, #tpu.memory_space<hbm>> -> memref<400x64xf32, #tpu.memory_space<hbm>>
          tpu.wait_dma2 semaphore(%arg18 : memref<!tpu.dma_semaphore, #tpu.memory_space<semaphore_mem>>) src(%arg10 : memref<400x64xf32, #tpu.memory_space<vmem>>) dst(%dma_wait3A_226 : memref<400x64xf32, #tpu.memory_space<hbm>>)
        } else {
        }
        %add3A_206 = arith.constant 3 : i32
        %add3A_207 = arith.addi %add3A_121, %add3A_206 : i32
        %mul3A_208 = arith.constant 400 : i32
        %mul3A_209 = arith.muli %add3A_207, %mul3A_208 : i32
        %add3A_210 = arith.addi %mul3A_2, %mul3A_209 : i32
        %dma_start3A_211 = tpu.memref_slice %arg2[%add3A_210] : memref<819200xi32, #tpu.memory_space<hbm>> -> memref<400xi32, #tpu.memory_space<hbm>>
        %dma_start3A_212 = tpu.memref_slice %arg2[%add3A_210] : memref<819200xi32, #tpu.memory_space<hbm>> -> memref<400xi32, #tpu.memory_space<hbm>>
        tpu.enqueue_dma source(%dma_start3A_212 : memref<400xi32, #tpu.memory_space<hbm>>) target(%arg6 : memref<400xi32, #tpu.memory_space<vmem>>) target_semaphore(%arg22 : memref<!tpu.dma_semaphore, #tpu.memory_space<semaphore_mem>>)
        %dma_start3A_213 = arith.constant 0 : i32
        %dma_start3A_214 = arith.constant 0 : i32
        %dma_start3A_215 = tpu.memref_slice %arg4[%add3A, %dma_start3A_213, %dma_start3A_214] : memref<32x400x64xf32, #tpu.memory_space<hbm>> -> memref<1x400x64xf32, #tpu.memory_space<hbm>>
        %dma_start3A_216 = tpu.memref_squeeze %dma_start3A_215 : memref<1x400x64xf32, #tpu.memory_space<hbm>> -> memref<400x64xf32, #tpu.memory_space<hbm>>
        %dma_start3A_217 = arith.constant 0 : i32
        %dma_start3A_218 = arith.constant 0 : i32
        %dma_start3A_219 = tpu.memref_slice %arg4[%add3A, %dma_start3A_217, %dma_start3A_218] : memref<32x400x64xf32, #tpu.memory_space<hbm>> -> memref<1x400x64xf32, #tpu.memory_space<hbm>>
        %dma_start3A_220 = tpu.memref_squeeze %dma_start3A_219 : memref<1x400x64xf32, #tpu.memory_space<hbm>> -> memref<400x64xf32, #tpu.memory_space<hbm>>
        tpu.enqueue_dma source(%dma_start3A_220 : memref<400x64xf32, #tpu.memory_space<hbm>>) target(%arg10 : memref<400x64xf32, #tpu.memory_space<vmem>>) target_semaphore(%arg22 : memref<!tpu.dma_semaphore, #tpu.memory_space<semaphore_mem>>)
      } else {
      }
      %add3A_139 = arith.constant 2 : i32
      %add3A_140 = arith.addi %add3A_121, %add3A_139 : i32
      %lt3A_141 = arith.constant 64 : i32
      %lt3A_142 = arith.cmpi slt, %add3A_140, %lt3A_141 : i32
      %convert_element_type3A_143 = arith.extui %lt3A_142 : i1 to i32
      %cond3A_144 = arith.constant 0 : i32
      %cond3A_145 = arith.cmpi ne, %convert_element_type3A_143, %cond3A_144 : i32
      scf.if %cond3A_145 {
        %dma_wait3A_202 = tpu.memref_slice %arg2[%mul3A_2] : memref<819200xi32, #tpu.memory_space<hbm>> -> memref<400xi32, #tpu.memory_space<hbm>>
        %dma_wait3A_203 = tpu.memref_slice %arg2[%mul3A_2] : memref<819200xi32, #tpu.memory_space<hbm>> -> memref<400xi32, #tpu.memory_space<hbm>>
        tpu.wait_dma2 semaphore(%arg25 : memref<!tpu.dma_semaphore, #tpu.memory_space<semaphore_mem>>) src(%dma_wait3A_203 : memref<400xi32, #tpu.memory_space<hbm>>) dst(%arg9 : memref<400xi32, #tpu.memory_space<vmem>>)
        %dma_wait3A_204 = arith.constant 0 : i32
        %dma_wait3A_205 = arith.constant 0 : i32
        %dma_wait3A_206 = tpu.memref_slice %arg4[%add3A, %dma_wait3A_204, %dma_wait3A_205] : memref<32x400x64xf32, #tpu.memory_space<hbm>> -> memref<1x400x64xf32, #tpu.memory_space<hbm>>
        %dma_wait3A_207 = tpu.memref_squeeze %dma_wait3A_206 : memref<1x400x64xf32, #tpu.memory_space<hbm>> -> memref<400x64xf32, #tpu.memory_space<hbm>>
        %dma_wait3A_208 = arith.constant 0 : i32
        %dma_wait3A_209 = arith.constant 0 : i32
        %dma_wait3A_210 = tpu.memref_slice %arg4[%add3A, %dma_wait3A_208, %dma_wait3A_209] : memref<32x400x64xf32, #tpu.memory_space<hbm>> -> memref<1x400x64xf32, #tpu.memory_space<hbm>>
        %dma_wait3A_211 = tpu.memref_squeeze %dma_wait3A_210 : memref<1x400x64xf32, #tpu.memory_space<hbm>> -> memref<400x64xf32, #tpu.memory_space<hbm>>
        tpu.wait_dma2 semaphore(%arg25 : memref<!tpu.dma_semaphore, #tpu.memory_space<semaphore_mem>>) src(%dma_wait3A_211 : memref<400x64xf32, #tpu.memory_space<hbm>>) dst(%arg13 : memref<400x64xf32, #tpu.memory_space<vmem>>)
        %dma_start3A_212 = arith.constant 0 : i32
        %dma_start3A_213 = arith.constant 0 : i32
        %dma_start3A_214 = tpu.memref_slice %arg3[%dma_start3A_212, %dma_start3A_213] : memref<1000000x64xf32, #tpu.memory_space<hbm>> -> memref<1000000x64xf32, #tpu.memory_space<hbm>>
        tpu.enqueue_indirect_dma source(%dma_start3A_214 : memref<1000000x64xf32, #tpu.memory_space<hbm>>) target(%arg13 : memref<400x64xf32, #tpu.memory_space<vmem>>) offsets(%arg9 : memref<400xi32, #tpu.memory_space<vmem>>) semaphore(%arg17 : memref<!tpu.dma_semaphore, #tpu.memory_space<semaphore_mem>>) {add = true}
      } else {
      }
      %mul3A_146 = arith.constant 4 : i32
      %mul3A_147 = arith.muli %mul3A_146, %scan3A_92 : i32
      %add3A_148 = arith.constant 2 : i32
      %add3A_149 = arith.addi %mul3A_147, %add3A_148 : i32
      %dma_wait3A_150 = arith.constant 0 : i32
      %dma_wait3A_151 = arith.constant 0 : i32
      %dma_wait3A_152 = tpu.memref_slice %arg3[%dma_wait3A_150, %dma_wait3A_151] : memref<1000000x64xf32, #tpu.memory_space<hbm>> -> memref<1000000x64xf32, #tpu.memory_space<hbm>>
      tpu.wait_indirect_dma semaphore(%arg16 : memref<!tpu.dma_semaphore, #tpu.memory_space<semaphore_mem>>) src(%dma_wait3A_152 : memref<1000000x64xf32, #tpu.memory_space<hbm>>) dst(%arg12 : memref<400x64xf32, #tpu.memory_space<vmem>>)
      %mul3A_153 = arith.constant 400 : i32
      %mul3A_154 = arith.muli %add3A_149, %mul3A_153 : i32
      %add3A_155 = arith.addi %mul3A_2, %mul3A_154 : i32
      %dma_start3A_156 = arith.constant 0 : i32
      %dma_start3A_157 = tpu.memref_slice %arg5[%add3A_155, %dma_start3A_156] : memref<819200x128xf32, #tpu.memory_space<hbm>> -> memref<400x64xf32, #tpu.memory_space<hbm>>
      %dma_start3A_158 = arith.constant 0 : i32
      %dma_start3A_159 = tpu.memref_slice %arg5[%add3A_155, %dma_start3A_158] : memref<819200x128xf32, #tpu.memory_space<hbm>> -> memref<400x64xf32, #tpu.memory_space<hbm>>
      tpu.enqueue_dma source(%arg12 : memref<400x64xf32, #tpu.memory_space<vmem>>) target(%dma_start3A_159 : memref<400x64xf32, #tpu.memory_space<hbm>>) target_semaphore(%arg20 : memref<!tpu.dma_semaphore, #tpu.memory_space<semaphore_mem>>)
      %add3A_160 = arith.constant 3 : i32
      %add3A_161 = arith.addi %add3A_149, %add3A_160 : i32
      %lt3A_162 = arith.constant 64 : i32
      %lt3A_163 = arith.cmpi slt, %add3A_161, %lt3A_162 : i32
      %convert_element_type3A_164 = arith.extui %lt3A_163 : i1 to i32
      %cond3A_165 = arith.constant 0 : i32
      %cond3A_166 = arith.cmpi ne, %convert_element_type3A_164, %cond3A_165 : i32
      scf.if %cond3A_166 {
        %ge3A = arith.constant 1 : i32
        %ge3A_202 = arith.cmpi sge, %add3A_149, %ge3A : i32
        %convert_element_type3A_203 = arith.extui %ge3A_202 : i1 to i32
        %cond3A_204 = arith.constant 0 : i32
        %cond3A_205 = arith.cmpi ne, %convert_element_type3A_203, %cond3A_204 : i32
        scf.if %cond3A_205 {
          %add3A_221 = arith.constant 0 : i32
          %add3A_222 = arith.addi %mul3A_2, %add3A_221 : i32
          %dma_wait3A_223 = arith.constant 0 : i32
          %dma_wait3A_224 = tpu.memref_slice %arg5[%add3A_222, %dma_wait3A_223] : memref<819200x128xf32, #tpu.memory_space<hbm>> -> memref<400x64xf32, #tpu.memory_space<hbm>>
          %dma_wait3A_225 = arith.constant 0 : i32
          %dma_wait3A_226 = tpu.memref_slice %arg5[%add3A_222, %dma_wait3A_225] : memref<819200x128xf32, #tpu.memory_space<hbm>> -> memref<400x64xf32, #tpu.memory_space<hbm>>
          tpu.wait_dma2 semaphore(%arg19 : memref<!tpu.dma_semaphore, #tpu.memory_space<semaphore_mem>>) src(%arg11 : memref<400x64xf32, #tpu.memory_space<vmem>>) dst(%dma_wait3A_226 : memref<400x64xf32, #tpu.memory_space<hbm>>)
        } else {
        }
        %add3A_206 = arith.constant 3 : i32
        %add3A_207 = arith.addi %add3A_149, %add3A_206 : i32
        %mul3A_208 = arith.constant 400 : i32
        %mul3A_209 = arith.muli %add3A_207, %mul3A_208 : i32
        %add3A_210 = arith.addi %mul3A_2, %mul3A_209 : i32
        %dma_start3A_211 = tpu.memref_slice %arg2[%add3A_210] : memref<819200xi32, #tpu.memory_space<hbm>> -> memref<400xi32, #tpu.memory_space<hbm>>
        %dma_start3A_212 = tpu.memref_slice %arg2[%add3A_210] : memref<819200xi32, #tpu.memory_space<hbm>> -> memref<400xi32, #tpu.memory_space<hbm>>
        tpu.enqueue_dma source(%dma_start3A_212 : memref<400xi32, #tpu.memory_space<hbm>>) target(%arg7 : memref<400xi32, #tpu.memory_space<vmem>>) target_semaphore(%arg23 : memref<!tpu.dma_semaphore, #tpu.memory_space<semaphore_mem>>)
        %dma_start3A_213 = arith.constant 0 : i32
        %dma_start3A_214 = arith.constant 0 : i32
        %dma_start3A_215 = tpu.memref_slice %arg4[%add3A, %dma_start3A_213, %dma_start3A_214] : memref<32x400x64xf32, #tpu.memory_space<hbm>> -> memref<1x400x64xf32, #tpu.memory_space<hbm>>
        %dma_start3A_216 = tpu.memref_squeeze %dma_start3A_215 : memref<1x400x64xf32, #tpu.memory_space<hbm>> -> memref<400x64xf32, #tpu.memory_space<hbm>>
        %dma_start3A_217 = arith.constant 0 : i32
        %dma_start3A_218 = arith.constant 0 : i32
        %dma_start3A_219 = tpu.memref_slice %arg4[%add3A, %dma_start3A_217, %dma_start3A_218] : memref<32x400x64xf32, #tpu.memory_space<hbm>> -> memref<1x400x64xf32, #tpu.memory_space<hbm>>
        %dma_start3A_220 = tpu.memref_squeeze %dma_start3A_219 : memref<1x400x64xf32, #tpu.memory_space<hbm>> -> memref<400x64xf32, #tpu.memory_space<hbm>>
        tpu.enqueue_dma source(%dma_start3A_220 : memref<400x64xf32, #tpu.memory_space<hbm>>) target(%arg11 : memref<400x64xf32, #tpu.memory_space<vmem>>) target_semaphore(%arg23 : memref<!tpu.dma_semaphore, #tpu.memory_space<semaphore_mem>>)
      } else {
      }
      %add3A_167 = arith.constant 2 : i32
      %add3A_168 = arith.addi %add3A_149, %add3A_167 : i32
      %lt3A_169 = arith.constant 64 : i32
      %lt3A_170 = arith.cmpi slt, %add3A_168, %lt3A_169 : i32
      %convert_element_type3A_171 = arith.extui %lt3A_170 : i1 to i32
      %cond3A_172 = arith.constant 0 : i32
      %cond3A_173 = arith.cmpi ne, %convert_element_type3A_171, %cond3A_172 : i32
      scf.if %cond3A_173 {
        %dma_wait3A_202 = tpu.memref_slice %arg2[%mul3A_2] : memref<819200xi32, #tpu.memory_space<hbm>> -> memref<400xi32, #tpu.memory_space<hbm>>
        %dma_wait3A_203 = tpu.memref_slice %arg2[%mul3A_2] : memref<819200xi32, #tpu.memory_space<hbm>> -> memref<400xi32, #tpu.memory_space<hbm>>
        tpu.wait_dma2 semaphore(%arg22 : memref<!tpu.dma_semaphore, #tpu.memory_space<semaphore_mem>>) src(%dma_wait3A_203 : memref<400xi32, #tpu.memory_space<hbm>>) dst(%arg6 : memref<400xi32, #tpu.memory_space<vmem>>)
        %dma_wait3A_204 = arith.constant 0 : i32
        %dma_wait3A_205 = arith.constant 0 : i32
        %dma_wait3A_206 = tpu.memref_slice %arg4[%add3A, %dma_wait3A_204, %dma_wait3A_205] : memref<32x400x64xf32, #tpu.memory_space<hbm>> -> memref<1x400x64xf32, #tpu.memory_space<hbm>>
        %dma_wait3A_207 = tpu.memref_squeeze %dma_wait3A_206 : memref<1x400x64xf32, #tpu.memory_space<hbm>> -> memref<400x64xf32, #tpu.memory_space<hbm>>
        %dma_wait3A_208 = arith.constant 0 : i32
        %dma_wait3A_209 = arith.constant 0 : i32
        %dma_wait3A_210 = tpu.memref_slice %arg4[%add3A, %dma_wait3A_208, %dma_wait3A_209] : memref<32x400x64xf32, #tpu.memory_space<hbm>> -> memref<1x400x64xf32, #tpu.memory_space<hbm>>
        %dma_wait3A_211 = tpu.memref_squeeze %dma_wait3A_210 : memref<1x400x64xf32, #tpu.memory_space<hbm>> -> memref<400x64xf32, #tpu.memory_space<hbm>>
        tpu.wait_dma2 semaphore(%arg22 : memref<!tpu.dma_semaphore, #tpu.memory_space<semaphore_mem>>) src(%dma_wait3A_211 : memref<400x64xf32, #tpu.memory_space<hbm>>) dst(%arg10 : memref<400x64xf32, #tpu.memory_space<vmem>>)
        %dma_start3A_212 = arith.constant 0 : i32
        %dma_start3A_213 = arith.constant 0 : i32
        %dma_start3A_214 = tpu.memref_slice %arg3[%dma_start3A_212, %dma_start3A_213] : memref<1000000x64xf32, #tpu.memory_space<hbm>> -> memref<1000000x64xf32, #tpu.memory_space<hbm>>
        tpu.enqueue_indirect_dma source(%dma_start3A_214 : memref<1000000x64xf32, #tpu.memory_space<hbm>>) target(%arg10 : memref<400x64xf32, #tpu.memory_space<vmem>>) offsets(%arg6 : memref<400xi32, #tpu.memory_space<vmem>>) semaphore(%arg14 : memref<!tpu.dma_semaphore, #tpu.memory_space<semaphore_mem>>) {add = true}
      } else {
      }
      %mul3A_174 = arith.constant 4 : i32
      %mul3A_175 = arith.muli %mul3A_174, %scan3A_92 : i32
      %add3A_176 = arith.constant 3 : i32
      %add3A_177 = arith.addi %mul3A_175, %add3A_176 : i32
      %dma_wait3A_178 = arith.constant 0 : i32
      %dma_wait3A_179 = arith.constant 0 : i32
      %dma_wait3A_180 = tpu.memref_slice %arg3[%dma_wait3A_178, %dma_wait3A_179] : memref<1000000x64xf32, #tpu.memory_space<hbm>> -> memref<1000000x64xf32, #tpu.memory_space<hbm>>
      tpu.wait_indirect_dma semaphore(%arg17 : memref<!tpu.dma_semaphore, #tpu.memory_space<semaphore_mem>>) src(%dma_wait3A_180 : memref<1000000x64xf32, #tpu.memory_space<hbm>>) dst(%arg13 : memref<400x64xf32, #tpu.memory_space<vmem>>)
      %mul3A_181 = arith.constant 400 : i32
      %mul3A_182 = arith.muli %add3A_177, %mul3A_181 : i32
      %add3A_183 = arith.addi %mul3A_2, %mul3A_182 : i32
      %dma_start3A_184 = arith.constant 0 : i32
      %dma_start3A_185 = tpu.memref_slice %arg5[%add3A_183, %dma_start3A_184] : memref<819200x128xf32, #tpu.memory_space<hbm>> -> memref<400x64xf32, #tpu.memory_space<hbm>>
      %dma_start3A_186 = arith.constant 0 : i32
      %dma_start3A_187 = tpu.memref_slice %arg5[%add3A_183, %dma_start3A_186] : memref<819200x128xf32, #tpu.memory_space<hbm>> -> memref<400x64xf32, #tpu.memory_space<hbm>>
      tpu.enqueue_dma source(%arg13 : memref<400x64xf32, #tpu.memory_space<vmem>>) target(%dma_start3A_187 : memref<400x64xf32, #tpu.memory_space<hbm>>) target_semaphore(%arg21 : memref<!tpu.dma_semaphore, #tpu.memory_space<semaphore_mem>>)
      %add3A_188 = arith.constant 3 : i32
      %add3A_189 = arith.addi %add3A_177, %add3A_188 : i32
      %lt3A_190 = arith.constant 64 : i32
      %lt3A_191 = arith.cmpi slt, %add3A_189, %lt3A_190 : i32
      %convert_element_type3A_192 = arith.extui %lt3A_191 : i1 to i32
      %cond3A_193 = arith.constant 0 : i32
      %cond3A_194 = arith.cmpi ne, %convert_element_type3A_192, %cond3A_193 : i32
      scf.if %cond3A_194 {
        %ge3A = arith.constant 1 : i32
        %ge3A_202 = arith.cmpi sge, %add3A_177, %ge3A : i32
        %convert_element_type3A_203 = arith.extui %ge3A_202 : i1 to i32
        %cond3A_204 = arith.constant 0 : i32
        %cond3A_205 = arith.cmpi ne, %convert_element_type3A_203, %cond3A_204 : i32
        scf.if %cond3A_205 {
          %add3A_221 = arith.constant 0 : i32
          %add3A_222 = arith.addi %mul3A_2, %add3A_221 : i32
          %dma_wait3A_223 = arith.constant 0 : i32
          %dma_wait3A_224 = tpu.memref_slice %arg5[%add3A_222, %dma_wait3A_223] : memref<819200x128xf32, #tpu.memory_space<hbm>> -> memref<400x64xf32, #tpu.memory_space<hbm>>
          %dma_wait3A_225 = arith.constant 0 : i32
          %dma_wait3A_226 = tpu.memref_slice %arg5[%add3A_222, %dma_wait3A_225] : memref<819200x128xf32, #tpu.memory_space<hbm>> -> memref<400x64xf32, #tpu.memory_space<hbm>>
          tpu.wait_dma2 semaphore(%arg20 : memref<!tpu.dma_semaphore, #tpu.memory_space<semaphore_mem>>) src(%arg12 : memref<400x64xf32, #tpu.memory_space<vmem>>) dst(%dma_wait3A_226 : memref<400x64xf32, #tpu.memory_space<hbm>>)
        } else {
        }
        %add3A_206 = arith.constant 3 : i32
        %add3A_207 = arith.addi %add3A_177, %add3A_206 : i32
        %mul3A_208 = arith.constant 400 : i32
        %mul3A_209 = arith.muli %add3A_207, %mul3A_208 : i32
        %add3A_210 = arith.addi %mul3A_2, %mul3A_209 : i32
        %dma_start3A_211 = tpu.memref_slice %arg2[%add3A_210] : memref<819200xi32, #tpu.memory_space<hbm>> -> memref<400xi32, #tpu.memory_space<hbm>>
        %dma_start3A_212 = tpu.memref_slice %arg2[%add3A_210] : memref<819200xi32, #tpu.memory_space<hbm>> -> memref<400xi32, #tpu.memory_space<hbm>>
        tpu.enqueue_dma source(%dma_start3A_212 : memref<400xi32, #tpu.memory_space<hbm>>) target(%arg8 : memref<400xi32, #tpu.memory_space<vmem>>) target_semaphore(%arg24 : memref<!tpu.dma_semaphore, #tpu.memory_space<semaphore_mem>>)
        %dma_start3A_213 = arith.constant 0 : i32
        %dma_start3A_214 = arith.constant 0 : i32
        %dma_start3A_215 = tpu.memref_slice %arg4[%add3A, %dma_start3A_213, %dma_start3A_214] : memref<32x400x64xf32, #tpu.memory_space<hbm>> -> memref<1x400x64xf32, #tpu.memory_space<hbm>>
        %dma_start3A_216 = tpu.memref_squeeze %dma_start3A_215 : memref<1x400x64xf32, #tpu.memory_space<hbm>> -> memref<400x64xf32, #tpu.memory_space<hbm>>
        %dma_start3A_217 = arith.constant 0 : i32
        %dma_start3A_218 = arith.constant 0 : i32
        %dma_start3A_219 = tpu.memref_slice %arg4[%add3A, %dma_start3A_217, %dma_start3A_218] : memref<32x400x64xf32, #tpu.memory_space<hbm>> -> memref<1x400x64xf32, #tpu.memory_space<hbm>>
        %dma_start3A_220 = tpu.memref_squeeze %dma_start3A_219 : memref<1x400x64xf32, #tpu.memory_space<hbm>> -> memref<400x64xf32, #tpu.memory_space<hbm>>
        tpu.enqueue_dma source(%dma_start3A_220 : memref<400x64xf32, #tpu.memory_space<hbm>>) target(%arg12 : memref<400x64xf32, #tpu.memory_space<vmem>>) target_semaphore(%arg24 : memref<!tpu.dma_semaphore, #tpu.memory_space<semaphore_mem>>)
      } else {
      }
      %add3A_195 = arith.constant 2 : i32
      %add3A_196 = arith.addi %add3A_177, %add3A_195 : i32
      %lt3A_197 = arith.constant 64 : i32
      %lt3A_198 = arith.cmpi slt, %add3A_196, %lt3A_197 : i32
      %convert_element_type3A_199 = arith.extui %lt3A_198 : i1 to i32
      %cond3A_200 = arith.constant 0 : i32
      %cond3A_201 = arith.cmpi ne, %convert_element_type3A_199, %cond3A_200 : i32
      scf.if %cond3A_201 {
        %dma_wait3A_202 = tpu.memref_slice %arg2[%mul3A_2] : memref<819200xi32, #tpu.memory_space<hbm>> -> memref<400xi32, #tpu.memory_space<hbm>>
        %dma_wait3A_203 = tpu.memref_slice %arg2[%mul3A_2] : memref<819200xi32, #tpu.memory_space<hbm>> -> memref<400xi32, #tpu.memory_space<hbm>>
        tpu.wait_dma2 semaphore(%arg23 : memref<!tpu.dma_semaphore, #tpu.memory_space<semaphore_mem>>) src(%dma_wait3A_203 : memref<400xi32, #tpu.memory_space<hbm>>) dst(%arg7 : memref<400xi32, #tpu.memory_space<vmem>>)
        %dma_wait3A_204 = arith.constant 0 : i32
        %dma_wait3A_205 = arith.constant 0 : i32
        %dma_wait3A_206 = tpu.memref_slice %arg4[%add3A, %dma_wait3A_204, %dma_wait3A_205] : memref<32x400x64xf32, #tpu.memory_space<hbm>> -> memref<1x400x64xf32, #tpu.memory_space<hbm>>
        %dma_wait3A_207 = tpu.memref_squeeze %dma_wait3A_206 : memref<1x400x64xf32, #tpu.memory_space<hbm>> -> memref<400x64xf32, #tpu.memory_space<hbm>>
        %dma_wait3A_208 = arith.constant 0 : i32
        %dma_wait3A_209 = arith.constant 0 : i32
        %dma_wait3A_210 = tpu.memref_slice %arg4[%add3A, %dma_wait3A_208, %dma_wait3A_209] : memref<32x400x64xf32, #tpu.memory_space<hbm>> -> memref<1x400x64xf32, #tpu.memory_space<hbm>>
        %dma_wait3A_211 = tpu.memref_squeeze %dma_wait3A_210 : memref<1x400x64xf32, #tpu.memory_space<hbm>> -> memref<400x64xf32, #tpu.memory_space<hbm>>
        tpu.wait_dma2 semaphore(%arg23 : memref<!tpu.dma_semaphore, #tpu.memory_space<semaphore_mem>>) src(%dma_wait3A_211 : memref<400x64xf32, #tpu.memory_space<hbm>>) dst(%arg11 : memref<400x64xf32, #tpu.memory_space<vmem>>)
        %dma_start3A_212 = arith.constant 0 : i32
        %dma_start3A_213 = arith.constant 0 : i32
        %dma_start3A_214 = tpu.memref_slice %arg3[%dma_start3A_212, %dma_start3A_213] : memref<1000000x64xf32, #tpu.memory_space<hbm>> -> memref<1000000x64xf32, #tpu.memory_space<hbm>>
        tpu.enqueue_indirect_dma source(%dma_start3A_214 : memref<1000000x64xf32, #tpu.memory_space<hbm>>) target(%arg11 : memref<400x64xf32, #tpu.memory_space<vmem>>) offsets(%arg7 : memref<400xi32, #tpu.memory_space<vmem>>) semaphore(%arg15 : memref<!tpu.dma_semaphore, #tpu.memory_space<semaphore_mem>>) {add = true}
      } else {
      }
    }
    %scan3A_67 = arith.constant 16 : i32
    %add3A_68 = arith.constant 0 : i32
    %add3A_69 = arith.addi %mul3A_2, %add3A_68 : i32
    %dma_wait3A_70 = arith.constant 0 : i32
    %dma_wait3A_71 = tpu.memref_slice %arg5[%add3A_69, %dma_wait3A_70] : memref<819200x128xf32, #tpu.memory_space<hbm>> -> memref<400x64xf32, #tpu.memory_space<hbm>>
    %dma_wait3A_72 = arith.constant 0 : i32
    %dma_wait3A_73 = tpu.memref_slice %arg5[%add3A_69, %dma_wait3A_72] : memref<819200x128xf32, #tpu.memory_space<hbm>> -> memref<400x64xf32, #tpu.memory_space<hbm>>
    tpu.wait_dma2 semaphore(%arg18 : memref<!tpu.dma_semaphore, #tpu.memory_space<semaphore_mem>>) src(%arg10 : memref<400x64xf32, #tpu.memory_space<vmem>>) dst(%dma_wait3A_73 : memref<400x64xf32, #tpu.memory_space<hbm>>)
    %add3A_74 = arith.constant 0 : i32
    %add3A_75 = arith.addi %mul3A_2, %add3A_74 : i32
    %dma_wait3A_76 = arith.constant 0 : i32
    %dma_wait3A_77 = tpu.memref_slice %arg5[%add3A_75, %dma_wait3A_76] : memref<819200x128xf32, #tpu.memory_space<hbm>> -> memref<400x64xf32, #tpu.memory_space<hbm>>
    %dma_wait3A_78 = arith.constant 0 : i32
    %dma_wait3A_79 = tpu.memref_slice %arg5[%add3A_75, %dma_wait3A_78] : memref<819200x128xf32, #tpu.memory_space<hbm>> -> memref<400x64xf32, #tpu.memory_space<hbm>>
    tpu.wait_dma2 semaphore(%arg19 : memref<!tpu.dma_semaphore, #tpu.memory_space<semaphore_mem>>) src(%arg11 : memref<400x64xf32, #tpu.memory_space<vmem>>) dst(%dma_wait3A_79 : memref<400x64xf32, #tpu.memory_space<hbm>>)
    %add3A_80 = arith.constant 0 : i32
    %add3A_81 = arith.addi %mul3A_2, %add3A_80 : i32
    %dma_wait3A_82 = arith.constant 0 : i32
    %dma_wait3A_83 = tpu.memref_slice %arg5[%add3A_81, %dma_wait3A_82] : memref<819200x128xf32, #tpu.memory_space<hbm>> -> memref<400x64xf32, #tpu.memory_space<hbm>>
    %dma_wait3A_84 = arith.constant 0 : i32
    %dma_wait3A_85 = tpu.memref_slice %arg5[%add3A_81, %dma_wait3A_84] : memref<819200x128xf32, #tpu.memory_space<hbm>> -> memref<400x64xf32, #tpu.memory_space<hbm>>
    tpu.wait_dma2 semaphore(%arg20 : memref<!tpu.dma_semaphore, #tpu.memory_space<semaphore_mem>>) src(%arg12 : memref<400x64xf32, #tpu.memory_space<vmem>>) dst(%dma_wait3A_85 : memref<400x64xf32, #tpu.memory_space<hbm>>)
    %add3A_86 = arith.constant 0 : i32
    %add3A_87 = arith.addi %mul3A_2, %add3A_86 : i32
    %dma_wait3A_88 = arith.constant 0 : i32
    %dma_wait3A_89 = tpu.memref_slice %arg5[%add3A_87, %dma_wait3A_88] : memref<819200x128xf32, #tpu.memory_space<hbm>> -> memref<400x64xf32, #tpu.memory_space<hbm>>
    %dma_wait3A_90 = arith.constant 0 : i32
    %dma_wait3A_91 = tpu.memref_slice %arg5[%add3A_87, %dma_wait3A_90] : memref<819200x128xf32, #tpu.memory_space<hbm>> -> memref<400x64xf32, #tpu.memory_space<hbm>>
    tpu.wait_dma2 semaphore(%arg21 : memref<!tpu.dma_semaphore, #tpu.memory_space<semaphore_mem>>) src(%arg13 : memref<400x64xf32, #tpu.memory_space<vmem>>) dst(%dma_wait3A_91 : memref<400x64xf32, #tpu.memory_space<hbm>>)
    return
  }
}

</mosaic_0001>

<sc_bundles>
// kernel: kernel.3.cloned.1.call-start
scs
__scs_entry_jumppad:
0x0: {  	(pc) =	sbr.rel $0x88, $3  }
0x1: {  	(tag) =	ssettag $0x0;
	lr =	simm.s32 $0x1  }
0x2: {  	[smem:$0x3F9E] =	sst lr;
	_ =	strace $0xD0000000  }
0x3: {  	_ = 	snop  }
0x4: {  	_ = 	snop  }
0x5: {  	_ = 	snop  }
0x6: {  	_ = 	snop  }
0x7: {  	_ = 	snop  }
__scs_overlays_trampoline_lowered:
0x8: {  	[smem:$0x3FAD] =	sst s0  }
0x9: {  	[smem:$0x3FAE] =	sst s1  }
0xa: {  	[smem:$0x3FAF] =	sst s2  }
0xb: {  	[smem:$0x3FB0] =	sst s3  }
0xc: {  	[smem:$0x3FB1] =	sst s4  }
0xd: {  	[smem:$0x3FB2] =	sst s5  }
0xe: {  	[smem:$0x3FB3] =	sst s6  }
0xf: {  	[smem:$0x3FB4] =	sst s7  }
0x10: {  	[smem:$0x3FB5] =	sst s8  }
0x11: {  	[smem:$0x3FB6] =	sst s9;
	s0 =	simm.s32 @!p0 $0x0  }
0x12: {  	s1 =	sld [smem:$0x3F9C];
	s0 =	simm.s32 @p0 $0x1  }
0x13: {  	[smem:$0x3FB7] =	sst s0;
	s0 =	simm.s32 @!p1 $0x0  }
0x14: {  	s2 =	sld [smem:$0x3F9B];
	s0 =	simm.s32 @p1 $0x1  }
0x15: {  	[smem:$0x3FB8] =	sst s0;
	s0 =	simm.s32 @!p2 $0x0  }
0x16: {  	s3 =	sld [smem:$0x3FDB];
	s0 =	simm.s32 @p2 $0x1  }
0x17: {  	s4 =	simm.s32 $0x1BF5;
	[smem:$0x3FBA] =	sst s0  }
0x18: {  	s0 =	sld [smem:$0x3F9D];
	_ =	swait.ge [sflag:s4], $0x0  }
0x19: {  	s7 =	sld [smem:$0x3F9E]  }
0x1a: {  	s8 =	sadd.s32 $0xFFFFE003, lr  }
0x1b: {  	s9 =	sadd.s32 $0xFFFFFEF7, lr;
	s5 =	simm.s32 $0xFFFFFFFF;
	p2 =	slt.u32 s8, $0xFFFFF086  }
0x1c: {  	p1 =	slt.u32 s9, $0xF7A;
	s5 =	simm.s32 @!p2 $0x0  }
0x1d: {  	s5 =	simm.s32 @p1 $0x1;
	p0 =	seq.s32 s7, s2  }
0x1e: {  	s7 =	smul.u32 @!p0 $0xF7A, s2;
	p2 =	seq.s32 @!p0 s5, $0x0  }
0x1f: {  	s9 =	smul.u32 $0xF7A, s1;
	s8 =	simm.s32 @!p0 $0x1BF5;
	p2 =	por !p2, p0  }
0x20: {  	[sflag:s8] =	ssyncset.s32 @!p0 $0xFFFFF086;
	s6 =	sadd.s32 @!p0 s3, s7;
	s7 =	simm.s32 @!p0 $0x108  }
0x21: {  	s3 =	sadd.s32 s3, s9;
	s6 =	sadd.s32 @!p0 $0x88, s6;
	s7 =	simm.s32 @p2 $0x1082  }
0x22: {  	[simem:s7], [sflag:s8] =	dma.local @!p0 [hbm:s6], $0xF7A  }
0x23: {  	s9 =	sor.u32 $0xD0000000, s2;
	s6 =	simm.s32 $0x108;
	_ =	swait.ge @!p0 [sflag:s8], $0x0  }
0x24: {  	s3 =	sadd.s32 $0x88, s3;
	s6 =	simm.s32 @!p1 $0x1082;
	[sflag:s4] =	ssyncset.s32 $0xFFFFF086  }
0x25: {  	[simem:s6], [sflag:s4] =	dma.local [hbm:s3], $0xF7A  }
0x26: {  	[smem:$0x3F9E] =	sst s1;
	(tag) =	ssettag s2;
	_ =	strace s9  }
0x27: {  	s1 =	sld [smem:$0x3FAE]  }
0x28: {  	s2 =	sld [smem:$0x3FAF]  }
0x29: {  	s4 =	sld [smem:$0x3FB1]  }
0x2a: {  	p0 =	seq.s32 s5, $0x0;
	s5 =	sld [smem:$0x3FB2]  }
0x2b: {  	s6 =	sld [smem:$0x3FB3]  }
0x2c: {  	s7 =	sld [smem:$0x3FB4]  }
0x2d: {  	s3 =	simm.s32 $0x108;
	s8 =	sld [smem:$0x3FB5]  }
0x2e: {  	s3 =	simm.s32 @!p0 $0x1082;
	s9 =	sld [smem:$0x3FB6]  }
0x2f: {  	lr =	sadd.s32 s0, s3;
	s0 =	sld [smem:$0x3FAD]  }
0x30: {  	s3 =	sld [smem:$0x3FB0]  }
0x31: {  	[smem:$0x3FB9] =	sst s10  }
0x32: {  	s10 =	sld [smem:$0x3FB7];
	_ =	sdelay $0x3  }
0x33: {  	p0 =	seq.s32 s10, $0x1;
	s10 =	sld [smem:$0x3FB9];
	_ =	sdelay $0x3  }
0x34: {  	[smem:$0x3FB9] =	sst s10  }
0x35: {  	s10 =	sld [smem:$0x3FB8];
	_ =	sdelay $0x3  }
0x36: {  	p1 =	seq.s32 s10, $0x1;
	s10 =	sld [smem:$0x3FB9];
	_ =	sdelay $0x3  }
0x37: {  	[smem:$0x3FB9] =	sst s10  }
0x38: {  	s10 =	sld [smem:$0x3FBA]  }
0x39: {  	_ = 	snop;
	(pc) =	sbr.ind lr, $3  }
0x3a: {  	_ = 	snop  }
0x3b: {  	_ = 	snop  }
0x3c: {  	p2 =	seq.s32 s10, $0x1;
	s10 =	sld [smem:$0x3FB9]  }
0x3d: {  	_ =	shalt  }
0x3e: {  	_ =	shalt  }
0x3f: {  	_ =	shalt  }
0x40: {  	_ =	shalt  }
0x41: {  	_ =	shalt  }
0x42: {  	_ =	shalt  }
0x43: {  	_ =	shalt  }
0x44: {  	_ =	shalt  }
0x45: {  	_ =	shalt  }
0x46: {  	_ =	shalt  }
0x47: {  	_ =	shalt  }
0x48: {  	_ =	shalt  }
0x49: {  	_ =	shalt  }
0x4a: {  	_ =	shalt  }
0x4b: {  	_ =	shalt  }
0x4c: {  	_ =	shalt  }
0x4d: {  	_ =	shalt  }
0x4e: {  	_ =	shalt  }
0x4f: {  	_ =	shalt  }
0x50: {  	_ =	shalt  }
0x51: {  	_ =	shalt  }
0x52: {  	_ =	shalt  }
0x53: {  	_ =	shalt  }
0x54: {  	_ =	shalt  }
0x55: {  	_ =	shalt  }
0x56: {  	_ =	shalt  }
0x57: {  	_ =	shalt  }
0x58: {  	_ =	shalt  }
0x59: {  	_ =	shalt  }
0x5a: {  	_ =	shalt  }
0x5b: {  	_ =	shalt  }
0x5c: {  	_ =	shalt  }
0x5d: {  	_ =	shalt  }
0x5e: {  	_ =	shalt  }
0x5f: {  	_ =	shalt  }
0x60: {  	_ =	shalt  }
0x61: {  	_ =	shalt  }
0x62: {  	_ =	shalt  }
0x63: {  	_ =	shalt  }
0x64: {  	_ =	shalt  }
0x65: {  	_ =	shalt  }
0x66: {  	_ =	shalt  }
0x67: {  	_ =	shalt  }
0x68: {  	_ =	shalt  }
0x69: {  	_ =	shalt  }
0x6a: {  	_ =	shalt  }
0x6b: {  	_ =	shalt  }
0x6c: {  	_ =	shalt  }
0x6d: {  	_ =	shalt  }
0x6e: {  	_ =	shalt  }
0x6f: {  	_ =	shalt  }
0x70: {  	_ =	shalt  }
0x71: {  	_ =	shalt  }
0x72: {  	_ =	shalt  }
0x73: {  	_ =	shalt  }
0x74: {  	_ =	shalt  }
0x75: {  	_ =	shalt  }
0x76: {  	_ =	shalt  }
0x77: {  	_ =	shalt  }
0x78: {  	_ =	shalt  }
0x79: {  	_ =	shalt  }
0x7a: {  	_ =	shalt  }
0x7b: {  	_ =	shalt  }
0x7c: {  	_ =	shalt  }
0x7d: {  	_ =	shalt  }
0x7e: {  	_ =	shalt  }
0x7f: {  	_ =	shalt  }
0x80: {  	_ =	shalt  }
0x81: {  	_ =	shalt  }
0x82: {  	_ =	shalt  }
0x83: {  	_ =	shalt  }
0x84: {  	_ =	shalt  }
0x85: {  	_ =	shalt  }
0x86: {  	_ =	shalt  }
0x87: {  	_ =	shalt  }
.Lfunc_end0:
.L_simem_size_0:
called_computation.1_lowered:
.L_overlay_start_0:
0x88: {  	s2 =	sld [smem:$0x3FD9]  }
0x89: {  	s3 =	sld [smem:$0x3FFE];
	_ =	sdelay $0x1  }
0x8a: {  	s1 =	srdreg.scid  }
0x8b: {  	s0 =	sand.u32 $0x1, s1  }
0x8c: {  	s17 =	sshll.u32 s0, $0xA;
	s2 =	sadd.s32 s3, s2  }
0x8d: {  	s2 =	sadd.s32 s2, s17  }
0x8e: {  	[smem:$0x3FC5] =	sst s2  }
0x8f: {  	_ = 	snop  }
0x90: {  	s2 =	sld [smem:$0x3FD0];
	(tm) =	ssettm $0x1  }
0x91: {  	s18 =	sld [smem:$0x3FFB];
	_ =	sdelay $0x3  }
0x92: {  	_ =	strace s18  }
0x93: {  	s3 =	sld [smem:$0x3FFC];
	_ =	sdelay $0x3  }
0x94: {  	_ =	strace s3  }
0x95: {  	s3 =	sld [smem:$0x3FFD];
	_ =	sdelay $0x3  }
0x96: {  	_ =	strace s3  }
0x97: {  	_ =	strace $0x8FFFFFFF  }
0x98: {  	s19 =	sld [smem:$0x3FDB];
	_ =	sdelay $0x1  }
0x99: {  	s4 =	simm.s32 $_scs_section_size  }
0x9a: {  	s5 =	simm.s32 $_size__tile_overlayer_lowered;
	s6 =	simm.s32 $_tile_overlayer_lowered  }
0x9b: {  	s22 =	simm.s32 $0x1BFF;
	s21 =	sshll.u32 s6, $0x1;
	s3 =	sadd.s32 s4, s19  }
0x9c: {  	s7 =	simm.s32 $0x0;
	s20 =	sshll.u32 s5, $0x1;
	s5 =	sadd.s32 s21, s3  }
0x9d: {  	[timem:s7], [sflag:s22] =	dma.local [hbm:s5], s20  }
0x9e: {  	_ =	swait.ge [sflag:s22], s20  }
0x9f: {  	s4 =	ssub.s32 $0x0, s20;
	[sflag:s22] =	ssyncset.done $0x0  }
0xa0: {  	[sflag:s22] =	ssyncadd.s32 s4;
	_ =	sdelay $0x1  }
0xa1: {  	s23 =	simm.s32 $0x1B8B  }
0xa2: {  	_ =	swait.ge [sflag:s23], $0x1  }
0xa3: {  	[sflag:s23] =	ssyncset.done $0x0  }
0xa4: {  	s25 =	simm.s32 $0x1B8E;
	s24 =	sld [smem:$0x3FFE];
	[sflag:s23] =	ssyncadd.s32 $0xFFFFFFFF  }
0xa5: {  	s26 =	simm.s32 $execute0_lowered;
	[smem:$0x3FD2] =	sst s25  }
0xa6: {  	s5 =	sshll.u32 s26, $0x1;
	_ =	strace $0x80000046;
	[dreg:$0x1] =	wrdreg $0xFFFFFFFF  }
0xa7: {  	s28 =	simm.s32 $_size_execute0_lowered;
	s3 =	sadd.s32 s3, s5;
	[dreg:$0x0] =	wrdreg $0x0  }
0xa8: {  	s5 =	sshll.u32 s28, $0x1;
	[dreg:$0x2] =	wrdreg s3  }
0xa9: {  	[dreg:$0x3] =	wrdreg s5  }
0xaa: {  	[dreg:$0x4] =	wrdreg $0xC0  }
0xab: {  	_ =	task [dreg:s7], $0x5FFFF  }
0xac: {  	[dreg:$0x1] =	wrdreg $0xFFFFFFFF  }
0xad: {  	[dreg:$0x0] =	wrdreg $0x60  }
0xae: {  	[dreg:$0x2] =	wrdreg s2  }
0xaf: {  	[dreg:$0x3] =	wrdreg s24  }
0xb0: {  	[dreg:$0x4] =	wrdreg $0x9  }
0xb1: {  	_ =	task.clear_ibuf [dreg:s7], $0x5FFFF;
	_ =	strace $0x90000046  }
0xb2: {  	s29 =	simm.s32 $0x9;
	_ =	strace $0x80000048  }
0xb3: {  	_ =	swait.ge [sflag:s29], $0x1  }
0xb4: {  	[sflag:s29] =	ssyncadd.s32 $0xFFFFFFFF  }
0xb5: {  	_ =	strace $0x90000048  }
0xb6: {  	_ =	sfence  }
0xb7: {  	s30 =	sld [smem:$0x0];
	_ =	sdelay $0x2  }
0xb8: {  	s31 =	sshll.u32 s1, $0xD;
	s1 =	sshrl.u32 s1, $0x2  }
0xb9: {  	s3 =	sand.u32 $0x4000, s31;
	s1 =	sadd.s32 s1, s30  }
0xba: {  	s0 =	sor.u32 s3, s0;
	s1 =	sshll.u32 s1, $0x11  }
0xbb: {  	s0 =	sor.u32 s1, s0  }
0xbc: {  	s0 =	sadd.s32 $0x8F2B, s0  }
0xbd: {  	[sflag:s0] =	ssyncadd.remote.s32 $0x1  }
0xbe: {  	_ =	sfence.sel $0xFFFF  }
0xbf: {  	[dreg:$0x0] =	wrdreg $0xFFFFFFFF;
	(pc) =	sbr.abs _section_cstart, $3  }
0xc0: {  	[dreg:$0x1] =	wrdreg $0xFFFFFFFF  }
0xc1: {  	_ =	task.clear_ibuf [dreg:s7], $0x2FFFF;
	_ =	strace $0x9FFFFFFF  }
0xc2: {  	(tm) =	ssettm $0x7FFFFFFF  }
0xc3: {  	_ =	shalt  }
tec
execute0_lowered:
.L_overlay_start_1:
0x0: {  	(tag) =	ssettag $0x1  }
0x1: {  	s10 =	rddreg [dreg:$0x0];
	s0 =	srdreg.scid  }
0x2: {  	s9 =	stileid.u32;
	s1 =	rddreg [dreg:$0x1]  }
0x3: {  	s3 =	simm.s32 $0x0;
	s28 =	simm.s32 $0x1;
	s29 =	simm.s32 $0x40  }
0x4: {  	s30 =	simm.s32 $0x80;
	s31 =	simm.s32 $0x4B0;
	s0 =	sand.u32 $0x1, s0  }
0x5: {  	s2 =	sshll.u32 s9, $0x1;
	[smem:$0x7FF] =	sst s3;
	s8 =	smul.u32 $0xC800, s9  }
0x6: {  	s4 =	sadd.s32 $0xF43000, s1;
	s11 =	sadd.s32 $0x19C00, s1;
	s13 =	smul.u32 $0xC8000, s9  }
0x7: {  	s9 =	simm.s32 $0xC;
	s2 =	sor.u32 s0, s2;
	s26 =	smul.u32 $0x6400, s0  }
0x8: {  	_ =	strace $0x80000047;
	s5 =	ssub.s32 $0x2, s0;
	s0 =	smul.u32 $0x64000, s0  }
0x9: {  	[dreg:$0x3] =	wrdreg s11;
	s2 =	smul.u32 $0x6400, s2;
	s7 =	sshrl.u32 s5, $0x1  }
0xa: {  	s25 =	ssub.s32 s5, s7;
	s5 =	sadd.s32 s26, s8;
	s17 =	sadd.s32 s0, s13  }
0xb: {  	s8 =	simm.s32 $0x2;
	s13 =	simm.s32 $0x7;
	s2 =	sshrl.u32 s2, $0x3  }
0xc: {  	s16 =	sadd.s32 $0x4B0, s5;
	s20 =	sadd.s32 $0x960, s5;
	s21 =	sadd.s32 $0x7D0, s5  }
0xd: {  	s22 =	sshll.u32 s5, $0x4;
	s26 =	sadd.s32 $0x640, s5;
	[dreg:$0x8] =	wrdreg s17  }
0xe: {  	s6 =	sadd.s32 s2, s1;
	s12 =	sadd.s32 s10, s2;
	s1 =	smax.u32 s25, $0x1  }
0xf: {  	s18 =	sshll.u32 s16, $0x4;
	s23 =	sshrl.u32 s21, $0x3;
	s24 =	sadd.s32 s22, s11  }
0x10: {  	[dreg:$0xe] =	wrdreg s26;
	s21 =	simm.s32 $0x190;
	s22 =	simm.s32 $0x6A40  }
0x11: {  	s26 =	simm.s32 $0xA;
	s7 =	sadd.s32 $0xC00, s6;
	[dreg:$0x4] =	wrdreg s12  }
0x12: {  	s14 =	sadd.s32 $0x32, s12;
	s15 =	sadd.s32 $0x64, s12;
	[dreg:$0x7] =	wrdreg s1  }
0x13: {  	s1 =	sshrl.u32 s16, $0x3;
	s0 =	sadd.s32 s18, s11;
	s25 =	sadd.s32 $0x3200, s24  }
0x14: {  	s18 =	sadd.s32 $0x1900, s24;
	s24 =	simm.s32 $0xCE40;
	[dreg:$0x5] =	wrdreg s14  }
0x15: {  	s6 =	simm.s32 $0x4;
	s12 =	simm.s32 $0x0;
	[dreg:$0x6] =	wrdreg s15  }
0x16: {  	[dreg:$0x9] =	wrdreg s0;
	s19 =	sadd.s32 s1, s10;
	s0 =	sshrl.u32 s20, $0x3  }
.Ltmp0:
0x17: {  	[dreg:$0xd] =	wrdreg s25;
	s20 =	simm.s32 $0x640;
	(pc) =	sbr.rel .LBB2_1-.Ltmp0, $4  }
0x18: {  	s25 =	simm.s32 $0x9;
	s1 =	simm.s32 $0x13240;
	[dreg:$0xa] =	wrdreg s19  }
0x19: {  	s0 =	sadd.s32 s0, s10;
	s19 =	sadd.s32 s11, s17;
	s11 =	simm.s32 $0x6  }
0x1a: {  	[dreg:$0xb] =	wrdreg s0;
	s0 =	sadd.s32 s23, s10;
	s23 =	simm.s32 $0x320  }
0x1b: {  	s10 =	simm.s32 $0x3;
	[dreg:$0xc] =	wrdreg s0;
	s0 =	simm.s32 $0xB  }
.LBB2_4:
0x1c: {  	s2 =	rddreg [dreg:$0x8]  }
0x1d: {  	s2 =	sadd.s32 s15, s2  }
0x1e: {  	_ =	swait.ge [sflag:s6], $0x6400;
	s2 =	sadd.s32 $0x4B00, s2  }
0x1f: {  	[sflag:s6] =	ssyncset.done $0x0;
	s5 =	rddreg [dreg:$0x3];
	s2 =	sand.u32 $0x1FFFE700, s2  }
0x20: {  	s15 =	simm.s32 $0x5;
	[sflag:s6] =	ssyncadd.s32 $0xFFFF9C00;
	s2 =	sadd.s32 s5, s2  }
0x21: {  	[hbm4b:s2+s29] =	stream.strided.scatter [tilespmem:s1], [sflag:$0x8], $0x6400, s30, s29, $0x38;
	[tilespmem:$0x19640] =	vst v63  }
0x22: {  	_ =	swait.ge [sflag:s15], $0x6400  }
0x23: {  	[sflag:s15] =	ssyncset.done $0x0  }
0x24: {  	[sflag:s15] =	ssyncadd.s32 $0xFFFF9C00  }
0x25: {  	_ =	swait.ge [sflag:s11], $0x6400  }
0x26: {  	[sflag:s11] =	ssyncset.done $0x0  }
0x27: {  	[sflag:s11] =	ssyncadd.s32 $0xFFFF9C00  }
0x28: {  	_ =	swait.ge [sflag:s13], $0x6400  }
0x29: {  	[sflag:s13] =	ssyncset.done $0x0  }
0x2a: {  	s16 =	simm.s32 $0x8;
	[sflag:s13] =	ssyncadd.s32 $0xFFFF9C00  }
0x2b: {  	_ =	swait.ge [sflag:s16], $0x6400  }
0x2c: {  	s12 =	rddreg [dreg:$0xf]  }
0x2d: {  	s17 =	rddreg [dreg:$0x7];
	s12 =	sadd.s32 $0x1, s12  }
0x2e: {  	p0 =	sne.s32 s12, s17  }
.Ltmp1:
0x2f: {  	_ = 	snop;
	(pc) =	sbr.rel @!p0 .LBB2_5-.Ltmp1, $3  }
0x30: {  	_ =	sdelay $0x1  }
0x31: {  	[sflag:s16] =	ssyncset.done $0x0  }
0x32: {  	[sflag:s16] =	ssyncadd.s32 $0xFFFF9C00  }
.LBB2_1:
0x33: {  	s2 =	rddreg [dreg:$0x4]  }
0x34: {  	[tilespmem:s3], [sflag:$0x9] =	stream.linear.gather [hbm4b:s2+s3], $0x190, $0x38;
	[tilespmem:$0x19640] =	vst v63  }
0x35: {  	_ = 	snop  }
0x36: {  	[tilespmem:s20], [sflag:$0x9] =	stream.linear.gather [hbm4b:s7+s3], $0x6400, $0x38;
	[tilespmem:$0x19640] =	vst v63  }
0x37: {  	s16 =	rddreg [dreg:$0x5]  }
0x38: {  	[tilespmem:s21], [sflag:$0xA] =	stream.linear.gather [hbm4b:s16+s3], $0x190, $0x38;
	[tilespmem:$0x19640] =	vst v63  }
0x39: {  	_ = 	snop  }
0x3a: {  	[tilespmem:s22], [sflag:$0xA] =	stream.linear.gather [hbm4b:s7+s3], $0x6400, $0x38;
	[tilespmem:$0x19640] =	vst v63  }
0x3b: {  	s17 =	rddreg [dreg:$0x6]  }
0x3c: {  	[tilespmem:s23], [sflag:$0xB] =	stream.linear.gather [hbm4b:s17+s3], $0x190, $0x38;
	[tilespmem:$0x19640] =	vst v63  }
0x3d: {  	[dreg:$0xf] =	wrdreg s12  }
0x3e: {  	[tilespmem:s24], [sflag:$0xB] =	stream.linear.gather [hbm4b:s7+s3], $0x6400, $0x38;
	[tilespmem:$0x19640] =	vst v63  }
0x3f: {  	_ =	swait.ge [sflag:s25], $0x190  }
0x40: {  	[sflag:s25] =	ssyncset.done $0x0  }
0x41: {  	[sflag:s25] =	ssyncadd.s32 $0xFFFFFE70  }
0x42: {  	_ =	swait.ge [sflag:s25], $0x6400  }
0x43: {  	[sflag:s25] =	ssyncset.done $0x0  }
0x44: {  	[sflag:s25] =	ssyncadd.s32 $0xFFFF9C00  }
0x45: {  	[tilespmem:s20], [sflag:$0x1] =	stream.indirect.gather.add.f32 [hbm:s4], $0x40, s3, s21, $0xb8;
	[tilespmem:$0x19640] =	vst v63  }
0x46: {  	_ =	swait.ge [sflag:s26], $0x190  }
0x47: {  	[sflag:s26] =	ssyncset.done $0x0  }
0x48: {  	[sflag:s26] =	ssyncadd.s32 $0xFFFFFE70  }
0x49: {  	_ =	swait.ge [sflag:s26], $0x6400  }
0x4a: {  	s17 =	rddreg [dreg:$0xe]  }
0x4b: {  	s5 =	rddreg [dreg:$0xc]  }
0x4c: {  	[sflag:s26] =	ssyncset.done $0x0;
	s14 =	rddreg [dreg:$0xb]  }
0x4d: {  	s15 =	simm.s32 $0x0;
	s2 =	rddreg [dreg:$0xa];
	[sflag:s26] =	ssyncadd.s32 $0xFFFF9C00  }
0x4e: {  	[tilespmem:s22], [sflag:$0x2] =	stream.indirect.gather.add.f32 [hbm:s4], $0x40, s21, s21, $0xb8;
	[tilespmem:$0x19640] =	vst v63  }
.LBB2_2:
0x4f: {  	_ =	swait.ge [sflag:s28], $0x6400  }
0x50: {  	[sflag:s28] =	ssyncset.done $0x0  }
0x51: {  	s12 =	sadd.s32 s15, s19;
	p0 =	seq.s32 s15, $0x0;
	[sflag:s28] =	ssyncadd.s32 $0xFFFF9C00  }
0x52: {  	[hbm4b:s12+s29] =	stream.strided.scatter [tilespmem:s20], [sflag:$0x5], $0x6400, s30, s29, $0x38;
	[tilespmem:$0x19640] =	vst v63  }
0x53: {  	s12 =	simm.s32 @!p0 $0x8  }
0x54: {  	_ =	swait.ge @!p0 [sflag:s12], $0x6400  }
0x55: {  	[sflag:s12] =	ssyncset.done @!p0 $0x0  }
0x56: {  	[sflag:s12] =	ssyncadd.s32 @!p0 $0xFFFF9C00  }
0x57: {  	[tilespmem:s31], [sflag:$0xC] =	stream.linear.gather [hbm4b:s2+s3], $0x190, $0x38;
	[tilespmem:$0x19640] =	vst v63  }
0x58: {  	_ = 	snop  }
0x59: {  	[tilespmem:s1], [sflag:$0xC] =	stream.linear.gather [hbm4b:s7+s3], $0x6400, $0x38;
	[tilespmem:$0x19640] =	vst v63  }
0x5a: {  	_ =	swait.ge [sflag:s0], $0x190  }
0x5b: {  	[sflag:s0] =	ssyncset.done $0x0  }
0x5c: {  	[sflag:s0] =	ssyncadd.s32 $0xFFFFFE70  }
0x5d: {  	_ =	swait.ge [sflag:s0], $0x6400  }
0x5e: {  	[sflag:s0] =	ssyncset.done $0x0  }
0x5f: {  	[sflag:s0] =	ssyncadd.s32 $0xFFFF9C00  }
0x60: {  	[tilespmem:s24], [sflag:$0x3] =	stream.indirect.gather.add.f32 [hbm:s4], $0x40, s23, s21, $0xb8;
	[tilespmem:$0x19640] =	vst v63  }
0x61: {  	_ =	swait.ge [sflag:s8], $0x6400  }
0x62: {  	p0 =	seq.s32 s15, $0x5DC00;
	[sflag:s8] =	ssyncset.done $0x0  }
0x63: {  	s16 =	sadd.s32 s15, s18;
	s12 =	simm.s32 @!p0 $0x5;
	[sflag:s8] =	ssyncadd.s32 $0xFFFF9C00  }
0x64: {  	[hbm4b:s16+s29] =	stream.strided.scatter [tilespmem:s22], [sflag:$0x6], $0x6400, s30, s29, $0x38;
	[tilespmem:$0x19640] =	vst v63  }
0x65: {  	_ =	swait.ge @!p0 [sflag:s12], $0x6400  }
0x66: {  	[sflag:s12] =	ssyncset.done @!p0 $0x0  }
0x67: {  	[sflag:s12] =	ssyncadd.s32 @!p0 $0xFFFF9C00  }
0x68: {  	s16 =	sshrl.u32 @!p0 s17, $0x3;
	s12 =	rddreg [dreg:$0x0]  }
0x69: {  	s12 =	sadd.s32 @!p0 s12, s16;
	s16 =	simm.s32 @!p0 $0x0  }
0x6a: {  	[tilespmem:s16], [sflag:$0x9] =	stream.linear.gather @!p0 [hbm4b:s12+s16], $0x190, $0x38;
	[tilespmem:$0x19640] =	vst v63  }
0x6b: {  	s12 =	simm.s32 @!p0 $0x640  }
0x6c: {  	[tilespmem:s12], [sflag:$0x9] =	stream.linear.gather @!p0 [hbm4b:s7+s16], $0x6400, $0x38;
	[tilespmem:$0x19640] =	vst v63  }
0x6d: {  	_ =	swait.ge [sflag:s9], $0x190  }
0x6e: {  	[sflag:s9] =	ssyncset.done $0x0  }
0x6f: {  	[sflag:s9] =	ssyncadd.s32 $0xFFFFFE70  }
0x70: {  	_ =	swait.ge [sflag:s9], $0x6400  }
0x71: {  	[sflag:s9] =	ssyncset.done $0x0  }
0x72: {  	[sflag:s9] =	ssyncadd.s32 $0xFFFF9C00  }
0x73: {  	[tilespmem:s1], [sflag:$0x4] =	stream.indirect.gather.add.f32 [hbm:s4], $0x40, s31, s21, $0xb8;
	[tilespmem:$0x19640] =	vst v63  }
.Ltmp2:
0x74: {  	_ = 	snop;
	(pc) =	sbr.rel @p0 .LBB2_4-.Ltmp2, $4  }
0x75: {  	_ =	swait.ge [sflag:s10], $0x6400  }
0x76: {  	[sflag:s10] =	ssyncset.done $0x0;
	s16 =	rddreg [dreg:$0xd]  }
0x77: {  	[sflag:s10] =	ssyncadd.s32 $0xFFFF9C00;
	s12 =	sadd.s32 s15, s16  }
0x78: {  	[hbm4b:s12+s29] =	stream.strided.scatter [tilespmem:s24], [sflag:$0x7], $0x6400, s30, s29, $0x38;
	[tilespmem:$0x19640] =	vst v63  }
0x79: {  	_ =	swait.ge [sflag:s11], $0x6400  }
0x7a: {  	[sflag:s11] =	ssyncset.done $0x0  }
0x7b: {  	[sflag:s11] =	ssyncadd.s32 $0xFFFF9C00  }
0x7c: {  	[tilespmem:s21], [sflag:$0xA] =	stream.linear.gather [hbm4b:s5+s3], $0x190, $0x38;
	[tilespmem:$0x19640] =	vst v63  }
0x7d: {  	_ = 	snop  }
0x7e: {  	[tilespmem:s22], [sflag:$0xA] =	stream.linear.gather [hbm4b:s7+s3], $0x6400, $0x38;
	[tilespmem:$0x19640] =	vst v63  }
0x7f: {  	_ =	swait.ge [sflag:s25], $0x190  }
0x80: {  	[sflag:s25] =	ssyncset.done $0x0  }
0x81: {  	[sflag:s25] =	ssyncadd.s32 $0xFFFFFE70  }
0x82: {  	_ =	swait.ge [sflag:s25], $0x6400  }
0x83: {  	[sflag:s25] =	ssyncset.done $0x0  }
0x84: {  	[sflag:s25] =	ssyncadd.s32 $0xFFFF9C00  }
0x85: {  	[tilespmem:s20], [sflag:$0x1] =	stream.indirect.gather.add.f32 [hbm:s4], $0x40, s3, s21, $0xb8;
	[tilespmem:$0x19640] =	vst v63  }
0x86: {  	_ =	swait.ge [sflag:s6], $0x6400  }
0x87: {  	[sflag:s6] =	ssyncset.done $0x0;
	s12 =	rddreg [dreg:$0x9]  }
0x88: {  	[sflag:s6] =	ssyncadd.s32 $0xFFFF9C00;
	s12 =	sadd.s32 s15, s12  }
0x89: {  	[hbm4b:s12+s29] =	stream.strided.scatter [tilespmem:s1], [sflag:$0x8], $0x6400, s30, s29, $0x38;
	[tilespmem:$0x19640] =	vst v63  }
0x8a: {  	_ =	swait.ge [sflag:s13], $0x6400  }
0x8b: {  	[sflag:s13] =	ssyncset.done $0x0  }
0x8c: {  	[sflag:s13] =	ssyncadd.s32 $0xFFFF9C00  }
0x8d: {  	[tilespmem:s23], [sflag:$0xB] =	stream.linear.gather [hbm4b:s14+s3], $0x190, $0x38;
	[tilespmem:$0x19640] =	vst v63  }
0x8e: {  	_ = 	snop  }
0x8f: {  	[tilespmem:s24], [sflag:$0xB] =	stream.linear.gather [hbm4b:s7+s3], $0x6400, $0x38;
	[tilespmem:$0x19640] =	vst v63  }
0x90: {  	_ =	swait.ge [sflag:s26], $0x190  }
0x91: {  	[sflag:s26] =	ssyncset.done $0x0  }
.Ltmp3:
0x92: {  	[sflag:s26] =	ssyncadd.s32 $0xFFFFFE70;
	(pc) =	sbr.rel .LBB2_2-.Ltmp3, $4  }
0x93: {  	s2 =	sadd.s32 $0xC8, s2;
	_ =	swait.ge [sflag:s26], $0x6400  }
0x94: {  	s17 =	sadd.s32 $0x640, s17;
	s5 =	sadd.s32 $0xC8, s5;
	[sflag:s26] =	ssyncset.done $0x0  }
0x95: {  	s15 =	sadd.s32 $0x6400, s15;
	s14 =	sadd.s32 $0xC8, s14;
	[sflag:s26] =	ssyncadd.s32 $0xFFFF9C00  }
0x96: {  	[tilespmem:s22], [sflag:$0x2] =	stream.indirect.gather.add.f32 [hbm:s4], $0x40, s21, s21, $0xb8;
	[tilespmem:$0x19640] =	vst v63  }
.LBB2_5:
0x97: {  	_ =	sfence.sel $0x180000  }
0x98: {  	[bflag:$0x0] =	sbarrier.arrive $0xFFFF  }
0x99: {  	_ =	strace $0x90000047  }
0x9a: {  	s0 =	stileid.u32;
	[bflag:$0x2] =	sbarrier.arrive $0xFFFF  }
0x9b: {  	p0 =	sne.s32 s0, $0x0;
	s0 =	rddreg [dreg:$0x2]  }
0x9c: {  	s0 =	sadd.s32 @!p0 $0x100000, s0  }
0x9d: {  	[sflag:s0] =	ssyncadd.tile.s32 @!p0 $0x1;
	_ =	shalt  }
.Lfunc_end2:
_tile_overlayer_lowered:
.L_overlay_start_2:
0x9e: {  	(tag) =	ssettag $0x2  }
0x9f: {  	s0 =	rddreg [dreg:$0x0];
	s2 =	stileid.u32  }
0xa0: {  	s1 =	rddreg [dreg:$0x1];
	p0 =	sne.s32 s2, $0x0  }
0xa1: {  	s3 =	rddreg [dreg:$0x2];
	[bflag:$0x3] =	sbarrier.arrive $0xFFFF;
	s2 =	simm.s32 @!p0 $0x1C0D  }
0xa2: {  	[timem:s3], [sflag:s2] =	dma.local @!p0 [hbm:s0], s1  }
0xa3: {  	s0 =	simm.s32 @!p0 $0xD  }
0xa4: {  	_ =	swait.ge @!p0 [sflag:s0], s1  }
0xa5: {  	s1 =	ssub.s32 @!p0 $0x0, s1;
	[sflag:s0] =	ssyncset.done @!p0 $0x0  }
0xa6: {  	[sflag:s0] =	ssyncadd.s32 @!p0 s1  }
0xa7: {  	[bflag:$0x3] =	sbarrier.arrive $0xFFFF  }
0xa8: {  	_ =	shalt  }

// kernel: sparse-core-data-format-call.cloned.1.call-start
scs
called_computation_lowered:
.L_overlay_start_0:
0x0: {  	s2 =	sld [smem:$0x3FD9]  }
0x1: {  	s3 =	sld [smem:$0x3FFE];
	_ =	sdelay $0x1  }
0x2: {  	s1 =	srdreg.scid  }
0x3: {  	s0 =	sand.u32 $0x1, s1  }
0x4: {  	s18 =	sshll.u32 s0, $0xA;
	s2 =	sadd.s32 s3, s2  }
0x5: {  	s2 =	sadd.s32 s2, s18  }
0x6: {  	[smem:$0x3FC5] =	sst s2  }
0x7: {  	_ = 	snop  }
0x8: {  	s2 =	sld [smem:$0x3FD0];
	(tm) =	ssettm $0x1  }
0x9: {  	s19 =	sld [smem:$0x3FFB];
	_ =	sdelay $0x3  }
0xa: {  	_ =	strace s19  }
0xb: {  	s3 =	sld [smem:$0x3FFC];
	_ =	sdelay $0x3  }
0xc: {  	_ =	strace s3  }
0xd: {  	s3 =	sld [smem:$0x3FFD];
	_ =	sdelay $0x3  }
0xe: {  	_ =	strace s3  }
0xf: {  	_ =	strace $0x8FFFFFFF  }
0x10: {  	s20 =	sld [smem:$0x3FDB];
	_ =	sdelay $0x1  }
0x11: {  	s4 =	simm.s32 $_scs_section_size  }
0x12: {  	s5 =	simm.s32 $_size__tile_overlayer_lowered;
	s6 =	simm.s32 $_tile_overlayer_lowered  }
0x13: {  	s23 =	simm.s32 $0x1BFF;
	s22 =	sshll.u32 s6, $0x1;
	s3 =	sadd.s32 s4, s20  }
0x14: {  	s7 =	simm.s32 $0x0;
	s21 =	sshll.u32 s5, $0x1;
	s5 =	sadd.s32 s22, s3  }
0x15: {  	[timem:s7], [sflag:s23] =	dma.local [hbm:s5], s21  }
0x16: {  	_ =	swait.ge [sflag:s23], s21  }
0x17: {  	s4 =	ssub.s32 $0x0, s21;
	[sflag:s23] =	ssyncset.done $0x0  }
0x18: {  	[sflag:s23] =	ssyncadd.s32 s4;
	_ =	sdelay $0x1  }
0x19: {  	s24 =	simm.s32 $0x1B8B  }
0x1a: {  	_ =	swait.ge [sflag:s24], $0x1  }
0x1b: {  	[sflag:s24] =	ssyncset.done $0x0  }
0x1c: {  	s26 =	simm.s32 $0x1B8E;
	s25 =	sld [smem:$0x3FFE];
	[sflag:s24] =	ssyncadd.s32 $0xFFFFFFFF  }
0x1d: {  	s27 =	simm.s32 $execute0_lowered;
	[smem:$0x3FD2] =	sst s26  }
0x1e: {  	s5 =	sshll.u32 s27, $0x1;
	_ =	strace $0x80000049;
	[dreg:$0x1] =	wrdreg $0xFFFFFFFF  }
0x1f: {  	s28 =	simm.s32 $_size_execute0_lowered;
	s3 =	sadd.s32 s3, s5;
	[dreg:$0x0] =	wrdreg $0x0  }
0x20: {  	s5 =	sshll.u32 s28, $0x1;
	[dreg:$0x2] =	wrdreg s3  }
0x21: {  	[dreg:$0x3] =	wrdreg s5  }
0x22: {  	[dreg:$0x4] =	wrdreg $0xC0  }
0x23: {  	_ =	task [dreg:s7], $0x5FFFF  }
0x24: {  	[dreg:$0x1] =	wrdreg $0xFFFFFFFF  }
0x25: {  	[dreg:$0x0] =	wrdreg $0x60  }
0x26: {  	[dreg:$0x2] =	wrdreg s25  }
0x27: {  	[dreg:$0x3] =	wrdreg s2  }
0x28: {  	[dreg:$0x4] =	wrdreg $0x9  }
0x29: {  	_ =	task.clear_ibuf [dreg:s7], $0x5FFFF;
	_ =	strace $0x90000049  }
0x2a: {  	s29 =	simm.s32 $0x9;
	_ =	strace $0x8000004B  }
0x2b: {  	_ =	swait.ge [sflag:s29], $0x1  }
0x2c: {  	[sflag:s29] =	ssyncadd.s32 $0xFFFFFFFF  }
0x2d: {  	_ =	strace $0x9000004B  }
0x2e: {  	_ =	sfence  }
0x2f: {  	s30 =	sld [smem:$0x0];
	_ =	sdelay $0x2  }
0x30: {  	s31 =	sshll.u32 s1, $0xD;
	s1 =	sshrl.u32 s1, $0x2  }
0x31: {  	s3 =	sand.u32 $0x4000, s31;
	s1 =	sadd.s32 s1, s30  }
0x32: {  	s0 =	sor.u32 s3, s0;
	s1 =	sshll.u32 s1, $0x11  }
0x33: {  	s0 =	sor.u32 s1, s0  }
0x34: {  	s0 =	sadd.s32 $0x8F2B, s0  }
0x35: {  	[sflag:s0] =	ssyncadd.remote.s32 $0x1  }
0x36: {  	_ =	sfence.sel $0xFFFF  }
0x37: {  	[dreg:$0x0] =	wrdreg $0xFFFFFFFF;
	(pc) =	sbr.abs _section_cstart, $3  }
0x38: {  	[dreg:$0x1] =	wrdreg $0xFFFFFFFF  }
0x39: {  	_ =	task.clear_ibuf [dreg:s7], $0x2FFFF;
	_ =	strace $0x9FFFFFFF  }
0x3a: {  	(tm) =	ssettm $0x7FFFFFFF  }
0x3b: {  	_ =	shalt  }
tec
execute0_lowered:
.L_overlay_start_1:
0x0: {  	(tag) =	ssettag $0x1  }
0x1: {  	s0 =	srdreg.scid  }
0x2: {  	s1 =	sshll.u32 s0, $0x4  }
0x3: {  	s0 =	stileid.u32;
	s1 =	sand.u32 $0x10, s1  }
0x4: {  	s1 =	sor.u32 s0, s1  }
0x5: {  	s6 =	rddreg [dreg:$0x0];
	s4 =	simm.s32 $0x1;
	s2 =	sshll.u32 s1, $0x7  }
0x6: {  	s7 =	simm.s32 $0x2;
	s12 =	simm.s32 $0x0;
	s1 =	ssub.s32 $0x1000, s2  }
0x7: {  	s8 =	simm.s32 $0x8000;
	s13 =	simm.s32 $0x0;
	s3 =	sand.u32 $0xF80, s1  }
0x8: {  	s9 =	simm.s32 $0x0;
	s5 =	sshrl.u32 s1, $0xC;
	p0 =	sne.s32 s3, $0x0  }
.Ltmp0:
0x9: {  	s1 =	rddreg [dreg:$0x2];
	s4 =	simm.s32 @!p0 $0x0;
	(pc) =	sbr.rel .LBB1_1-.Ltmp0, $4  }
0xa: {  	s11 =	simm.s32 $0x0;
	s3 =	rddreg [dreg:$0x1];
	s5 =	sadd.s32 s4, s5  }
0xb: {  	_ =	strace $0x8000004A;
	s4 =	simm.s32 $0x1;
	s5 =	smul.u32 $0xC8, s5  }
0xc: {  	s6 =	sadd.s32 $0x19C00, s6;
	s10 =	smov.u32 s2;
	[sflag:s4] =	ssyncpa.u1 $0x0  }
0xd: {  	p0 =	por $0x0, $0x0;
	[sflag:s7] =	ssyncpa.u1 $0x0;
	s7 =	sor.u32 $0x1, s5  }
.LBB1_4:
0xe: {  	s16 =	sshll.u32 s13, $0x3;
	s17 =	sand.u32 $0x78, s13  }
0xf: {  	s30 =	sand.u32 $0x7E00, s13;
	s12 =	sshll.u32 s12, $0xF;
	s16 =	sand.u32 $0xC00, s16  }
0x10: {  	[tilespmem:s15+$0x810 ss:$0x81] =	vst.msk $0xffff, v2;
	s31 =	sand.u32 $0x7, s13;
	s16 =	sor.u32 s17, s16;
	s17 =	sadd.s32 s3, s30  }
0x11: {  	[tilespmem:s15+$0x1020 ss:$0x81] =	vst.msk $0xffff, v0;
	s13 =	sshll.u32 s31, $0x12;
	s12 =	sadd.s32 s12, s17;
	s16 =	sshrl.u32 s16, $0x3  }
0x12: {  	[tilespmem:s15+$0x0 ss:$0x81] =	vst.msk $0xffff, v1;
	s13 =	sor.u32 $0x400, s13;
	s12 =	sadd.s32 s16, s12  }
0x13: {  	[hbm4b:s12+s13] =	stream.strided.scatter [tilespmem:s14], [sflag:$0x2], $0x2000, s8, s13, $0x20;
	[tilespmem:$0x8080] =	vst v63  }
.LBB1_5:
0x14: {  	s14 =	sadd.s32 $0x1, s9  }
0x15: {  	s12 =	sadd.s32 $0x1000, s10;
	s16 =	smov.u32 s10;
	p2 =	sgt.s32 s14, $0xC7  }
0x16: {  	s16 =	smov.u32 @p2 s12  }
0x17: {  	s14 =	simm.s32 @p2 $0x0;
	p2 =	sgt.s32 s16, $0xFFF  }
0x18: {  	s16 =	smov.u32 @p2 s2;
	p2 =	sne.s32 s11, s7  }
.Ltmp1:
0x19: {  	p1 =	slt.u32 s11, $0x2;
	(pc) =	sbr.rel @!p2 .LBB1_6-.Ltmp1, $4  }
0x1a: {  	s15 =	simm.s32 @!p1 $0x2  }
0x1b: {  	s13 =	smov.u32 s10;
	p0 =	por !p0, !p0;
	_ =	swait.ge @!p1 [sflag:s15], $0x2000  }
0x1c: {  	s12 =	smov.u32 s9;
	[sflag:s15] =	ssyncset.done @!p1 $0x0;
	s9 =	smov.u32 s14  }
0x1d: {  	s11 =	sadd.s32 $0x1, s11;
	[sflag:s15] =	ssyncadd.s32 @!p1 $0xFFFFE000;
	s10 =	smov.u32 s16  }
.LBB1_1:
0x1e: {  	p1 =	sge.u32 s11, s5  }
0x1f: {  	s14 =	sand.u32 @!p1 $0x1FFFFFF, s9  }
0x20: {  	s15 =	smulhi.u32 @!p1 $0x147AE15, s14;
	_ =	sdelay $0x1  }
0x21: {  	s15 =	smul.u32 @!p1 $0xC8, s15  }
0x22: {  	s16 =	sxor.u32 @!p1 $0xFFFFFFFF, s11;
	s17 =	smul.u32 @!p1 $0xC80, s10  }
0x23: {  	s31 =	sadd.s32 $0xFFFFFFFF, s11;
	s16 =	sshll.u32 @!p1 s16, $0xD;
	s14 =	ssub.s32 @!p1 s14, s15  }
0x24: {  	s15 =	sand.u32 @!p1 $0x2000, s16;
	s16 =	sadd.s32 @!p1 s6, s17;
	s14 =	sshll.u32 @!p1 s14, $0x4  }
0x25: {  	s17 =	simm.s32 @!p1 $0x6400;
	s14 =	sadd.s32 @!p1 s14, s16;
	s16 =	simm.s32 @!p1 $0x40  }
0x26: {  	[tilespmem:s15], [sflag:$0x1] =	stream.strided.gather @!p1 [hbm4b:s14+s16], $0x2000, s17, s16, $0x38;
	[tilespmem:$0x8080] =	vst v63  }
0x27: {  	p1 =	sge.u32 s31, s5  }
.Ltmp2:
0x28: {  	_ = 	snop;
	(pc) =	sbr.rel @p1 .LBB1_5-.Ltmp2, $1  }
0x29: {  	_ =	sdelay $0x3  }
0x2a: {  	s14 =	simm.s32 $0x1  }
0x2b: {  	_ =	swait.ge [sflag:s4], $0x2000;
	s14 =	simm.s32 @!p0 $0x0  }
0x2c: {  	[sflag:s4] =	ssyncset.done $0x0;
	s15 =	sshll.u32 s14, $0xD  }
0x2d: {  	[sflag:s4] =	ssyncadd.s32 $0xFFFFE000;
	s18 =	sor.u32 $0x20, s15  }
0x2e: {  	s14 =	smul.u32 $0x8100, s14;
	v3 =	vld [tilespmem:s18+$0x10]  }
0x2f: {  	s30 =	sand.u32 $0x1, s11;
	v2 =	vld [tilespmem:s18+$0xFFFFFFF0]  }
0x30: {  	s15 =	smul.u32 $0x8100, s30;
	s14 =	sshrl.u32 s14, $0x2;
	v0 =	vld [tilespmem:s18+$0x0]  }
0x31: {  	v1 =	vld [tilespmem:s18+$0xFFFFFFE0];
	s16 =	sor.u32 $0x4000, s14  }
0x32: {  	s31 =	sshrl.u32 s15, $0x2;
	s15 =	sadd.s32 $0x0, s16  }
0x33: {  	s17 =	simm.s32 $0x4;
	s18 =	sadd.s32 $0x40, s18;
	s14 =	sor.u32 $0x4000, s31;
	[tilespmem:s15+$0x1830 ss:$0x81] =	vst.msk $0xffff, v3  }
.LBB1_3:
0x34: {  	v3 =	vld [tilespmem:s18+$0x10];
	p1 =	sne.s32 s17, $0x1FC;
	[tilespmem:s15+$0x810 ss:$0x81] =	vst.msk $0xffff, v2;
	s19 =	smov.u32 s17;
	s17 =	sadd.s32 $0x4, s17  }
.Ltmp3:
0x35: {  	v2 =	vld [tilespmem:s18+$0xFFFFFFF0];
	[tilespmem:s15+$0x1020 ss:$0x81] =	vst.msk $0xffff, v0;
	(pc) =	sbr.rel @p1 .LBB1_3-.Ltmp3, $4  }
0x36: {  	v0 =	vld [tilespmem:s18+$0x0];
	[tilespmem:s15+$0x0 ss:$0x81] =	vst.msk $0xffff, v1  }
0x37: {  	s15 =	sshra.s32 s19, $0x2;
	v1 =	vld [tilespmem:s18+$0xFFFFFFE0]  }
0x38: {  	s15 =	sadd.s32 s15, s16  }
0x39: {  	s18 =	sadd.s32 $0x40, s18;
	[tilespmem:s15+$0x1830 ss:$0x81] =	vst.msk $0xffff, v3  }
.Ltmp4:
0x3a: {  	_ = 	snop;
	(pc) =	sbr.rel .LBB1_4-.Ltmp4, $1  }
0x3b: {  	_ =	sdelay $0x3  }
.LBB1_6:
0x3c: {  	_ =	sfence.sel $0x180000  }
0x3d: {  	s2 =	simm.s32 $0x1;
	[bflag:$0x0] =	sbarrier.arrive $0xFFFF  }
0x3e: {  	s31 =	simm.s32 $0x2;
	[sflag:s2] =	ssyncpa.u1 $0x1  }
0x3f: {  	[sflag:s31] =	ssyncpa.u1 $0x1  }
0x40: {  	p0 =	sne.s32 s0, $0x0;
	_ =	strace $0x9000004A  }
0x41: {  	s0 =	sadd.s32 @!p0 $0x100000, s1;
	[bflag:$0x2] =	sbarrier.arrive $0xFFFF  }
0x42: {  	[sflag:s0] =	ssyncadd.tile.s32 @!p0 $0x1;
	_ =	shalt  }
.Lfunc_end1:
_tile_overlayer_lowered:
.L_overlay_start_2:
0x43: {  	(tag) =	ssettag $0x2  }
0x44: {  	s0 =	rddreg [dreg:$0x0];
	s2 =	stileid.u32  }
0x45: {  	s1 =	rddreg [dreg:$0x1];
	p0 =	sne.s32 s2, $0x0  }
0x46: {  	s3 =	rddreg [dreg:$0x2];
	[bflag:$0x3] =	sbarrier.arrive $0xFFFF;
	s2 =	simm.s32 @!p0 $0x1C01  }
0x47: {  	[timem:s3], [sflag:s2] =	dma.local @!p0 [hbm:s0], s1  }
0x48: {  	s0 =	simm.s32 @!p0 $0x1  }
0x49: {  	_ =	swait.ge @!p0 [sflag:s0], s1  }
0x4a: {  	s1 =	ssub.s32 @!p0 $0x0, s1;
	[sflag:s0] =	ssyncset.done @!p0 $0x0  }
0x4b: {  	[sflag:s0] =	ssyncadd.s32 @!p0 s1  }
0x4c: {  	[bflag:$0x3] =	sbarrier.arrive $0xFFFF  }
0x4d: {  	_ =	shalt  }

</sc_bundles>
